<compile_context>
chip_gen: v7x
topology: tpu7x:2x2x1
jax: 0.10.2.dev20260603
libtpu: 0.0.44.dev20260713+nightly
codegen_flags: <defaults>
</compile_context>

<pallas_src>
import functools

import jax
import jax.numpy as jnp
from jax import lax
from jax.experimental import pallas as pl
from jax.experimental.pallas import tpu as pltpu
from jax.experimental.pallas import tpu_sc as plsc

_NC = 2
_NS = 16
_NW = _NC * _NS
_BLK = 1024


def _sc_embed(idx_grouped, table, *, niter, chunk, embed_dim):
    n_rows = _NW * niter * chunk
    mesh = plsc.VectorSubcoreMesh(core_axis_name="c", subcore_axis_name="s")

    @functools.partial(
        pl.kernel,
        mesh=mesh,
        out_type=jax.ShapeDtypeStruct((n_rows, embed_dim), jnp.float32),
        scratch_types=[
            pltpu.VMEM((niter, chunk), jnp.int32),
            pltpu.VMEM_SHARED(table.shape, jnp.float32),
            pltpu.VMEM((chunk, embed_dim), jnp.float32),
            pltpu.VMEM((chunk, embed_dim), jnp.float32),
            pltpu.SemaphoreType.DMA,
            pltpu.SemaphoreType.DMA,
        ],
        compiler_params=pltpu.CompilerParams(use_tc_tiling_on_sc=False),
    )
    def k(idx_hbm, table_hbm, out_hbm, idx_v, table_v, rows0, rows1, sem0,
          sem1):
        sid = lax.axis_index("s")
        wid = sid * _NC + lax.axis_index("c")

        @pl.when(sid == 0)
        def _():
            pltpu.sync_copy(table_hbm, table_v)

        pltpu.sync_copy(idx_hbm.at[wid], idx_v)
        plsc.subcore_barrier()

        def gather(i, buf, sem):
            return pltpu.async_copy(table_v.at[idx_v.at[i]], buf, sem)

        def wait_gather(i, buf, sem):
            pltpu.make_async_copy(table_v.at[idx_v.at[i]], buf, sem).wait()

        def scatter(i, buf):
            base = (wid * niter + i) * chunk
            pltpu.sync_copy(buf, out_hbm.at[pl.ds(base, chunk)])

        gather(0, rows0, sem0)

        def step2(j, carry):
            i0 = 2 * j
            gather(i0 + 1, rows1, sem1)
            wait_gather(i0, rows0, sem0)
            scatter(i0, rows0)

            @pl.when(j + 1 < niter // 2)
            def _():
                gather(i0 + 2, rows0, sem0)

            wait_gather(i0 + 1, rows1, sem1)
            scatter(i0 + 1, rows1)
            return carry

        lax.fori_loop(0, niter // 2, step2, 0)

    return k(idx_grouped, table)


def _tc_embed(idx3, table_hl):
    nb = idx3.shape[0]
    vocab, two_d = table_hl.shape
    embed_dim = two_d // 2

    def body(idx_ref, tab_ref, out_ref):
        idx = idx_ref[0].reshape(1, _BLK)
        vio = lax.broadcasted_iota(jnp.int32, (vocab, _BLK), 0)
        oh = (idx == vio).astype(jnp.bfloat16)
        r = lax.dot_general(oh, tab_ref[...], (((0,), (0,)), ((), ())),
                            preferred_element_type=jnp.float32)
        out_ref[...] = r[:, :embed_dim] + r[:, embed_dim:]

    return pl.pallas_call(
        body,
        grid=(nb,),
        in_specs=[
            pl.BlockSpec((1, 8, 128), lambda i: (i, 0, 0)),
            pl.BlockSpec((vocab, two_d), lambda i: (0, 0)),
        ],
        out_specs=pl.BlockSpec((_BLK, embed_dim), lambda i: (i, 0)),
        out_shape=jax.ShapeDtypeStruct((nb * _BLK, embed_dim), jnp.float32),
    )(idx3, table_hl)


def kernel(indices, table):
    batch, hist = indices.shape
    vocab, embed_dim = table.shape
    n = batch * hist
    chunk = 1600
    n_sc = 512000
    niter = n_sc // (_NW * chunk)
    idx_flat = indices.reshape(-1)
    out_sc = _sc_embed(idx_flat[:n_sc].reshape(_NW, niter, chunk), table,
                       niter=niter, chunk=chunk, embed_dim=embed_dim)
    th = table.astype(jnp.bfloat16)
    tl = (table - th.astype(jnp.float32)).astype(jnp.bfloat16)
    table_hl = jnp.concatenate([th, tl], axis=1)
    idx3 = idx_flat[n_sc:].reshape((n - n_sc) // _BLK, 8, 128)
    out_tc = _tc_embed(idx3, table_hl)
    out = jnp.concatenate([out_sc, out_tc], axis=0)
    return out.reshape(batch, hist, embed_dim)

# --- scband reference (transcript-rebuilt; emitter-appended) ---
"""Pipeline reference for scband-symbol-embedding-70635032150605 (READ-ONLY COPY).

The authoritative reference and input builder live on the scoring server;
editing this copy changes nothing except your own understanding.
"""

import jax, jax.numpy as jnp
import numpy as np

VOCAB = 256
EMBED_DIM = 32
BATCH = 4096
HIST = 200

def setup_inputs(seed: int = 0) -> dict:
    key = jax.random.key(seed)
    k1, k2 = jax.random.split(key)
    indices = jax.random.randint(k1, (BATCH, HIST), 0, VOCAB, dtype=jnp.int32)
    # nn.Embedding default init: N(0, 1)
    table = jax.random.normal(k2, (VOCAB, EMBED_DIM), dtype=jnp.float32)
    return {"indices": indices, "table": table}

def reference(indices, table):
    # SymbolEmbedding.get_embedding: self.embedding(index) == row gather from the table.
    # Batched over a tensor of symbol indices.
    return jnp.take(table, indices, axis=0)

if __name__ == "__main__":
    import jax
    _d = setup_inputs()
    print(jax.jit(kernel)(*tuple(_d.values())))

</pallas_src>

<mosaic_0001>
#map = affine_map<(d0, d1) -> (0, 0, 0)>
#map1 = affine_map<(d0, d1) -> (0, 0)>
module attributes {stable_mosaic.version = 14 : i64} {
  func.func @k(%arg0: i32, %arg1: i32, %arg2: memref<32x10x1600xi32, #tpu.memory_space<hbm>>, %arg3: memref<256x32xf32, #tpu.memory_space<hbm>>, %arg4: memref<512000x32xf32, #tpu.memory_space<hbm>>, %arg5: memref<10x1600xi32, #tpu.memory_space<vmem>>, %arg6: memref<256x32xf32, #tpu.memory_space<vmem_shared>>, %arg7: memref<1600x32xf32, #tpu.memory_space<vmem>>, %arg8: memref<1600x32xf32, #tpu.memory_space<vmem>>, %arg9: memref<!tpu.dma_semaphore, #tpu.memory_space<semaphore_mem>>, %arg10: memref<!tpu.dma_semaphore, #tpu.memory_space<semaphore_mem>>) attributes {dimension_semantics = [#tpu.dimension_semantics<core_parallel>, #tpu.dimension_semantics<subcore_parallel>], iteration_bounds = array<i64: 2, 16>, scalar_prefetch = 0 : i64, scratch_operands = 6 : i64, tpu.core_type = #tpu.core_type<sc_vector_subcore>, window_params = [{transform_indices = #map}, {transform_indices = #map1}, {transform_indices = #map1}]} {
    %mul3A = arith.constant 2 : i32
    %mul3A_0 = arith.muli %arg1, %mul3A : i32
    %add3A = arith.addi %mul3A_0, %arg0 : i32
    %eq3A = arith.constant 0 : i32
    %eq3A_1 = arith.cmpi eq, %arg1, %eq3A : i32
    %convert_element_type3A = arith.extui %eq3A_1 : i1 to i32
    %cond3A = arith.constant 0 : i32
    %cond3A_2 = arith.cmpi ne, %convert_element_type3A, %cond3A : i32
    scf.if %cond3A_2 {
      "tpu.region"() ({
        %run_scoped3A = tpu.sem_alloc : memref<!tpu.dma_semaphore, #tpu.memory_space<semaphore_mem>>
        tpu.enqueue_dma source(%arg3 : memref<256x32xf32, #tpu.memory_space<hbm>>) target(%arg6 : memref<256x32xf32, #tpu.memory_space<vmem_shared>>) target_semaphore(%run_scoped3A : memref<!tpu.dma_semaphore, #tpu.memory_space<semaphore_mem>>)
        tpu.wait_dma2 semaphore(%run_scoped3A : memref<!tpu.dma_semaphore, #tpu.memory_space<semaphore_mem>>) src(%arg3 : memref<256x32xf32, #tpu.memory_space<hbm>>) dst(%arg6 : memref<256x32xf32, #tpu.memory_space<vmem_shared>>)
        tpu.yield
      }) : () -> ()
    } else {
    }
    "tpu.region"() ({
      %run_scoped3A = tpu.sem_alloc : memref<!tpu.dma_semaphore, #tpu.memory_space<semaphore_mem>>
      %dma_start3A_14 = arith.constant 0 : i32
      %dma_start3A_15 = arith.constant 0 : i32
      %dma_start3A_16 = tpu.memref_slice %arg2[%add3A, %dma_start3A_14, %dma_start3A_15] : memref<32x10x1600xi32, #tpu.memory_space<hbm>> -> memref<1x10x1600xi32, #tpu.memory_space<hbm>>
      %dma_start3A_17 = tpu.memref_squeeze %dma_start3A_16 : memref<1x10x1600xi32, #tpu.memory_space<hbm>> -> memref<10x1600xi32, #tpu.memory_space<hbm>>
      %dma_start3A_18 = arith.constant 0 : i32
      %dma_start3A_19 = arith.constant 0 : i32
      %dma_start3A_20 = tpu.memref_slice %arg2[%add3A, %dma_start3A_18, %dma_start3A_19] : memref<32x10x1600xi32, #tpu.memory_space<hbm>> -> memref<1x10x1600xi32, #tpu.memory_space<hbm>>
      %dma_start3A_21 = tpu.memref_squeeze %dma_start3A_20 : memref<1x10x1600xi32, #tpu.memory_space<hbm>> -> memref<10x1600xi32, #tpu.memory_space<hbm>>
      tpu.enqueue_dma source(%dma_start3A_21 : memref<10x1600xi32, #tpu.memory_space<hbm>>) target(%arg5 : memref<10x1600xi32, #tpu.memory_space<vmem>>) target_semaphore(%run_scoped3A : memref<!tpu.dma_semaphore, #tpu.memory_space<semaphore_mem>>)
      %dma_wait3A = arith.constant 0 : i32
      %dma_wait3A_22 = arith.constant 0 : i32
      %dma_wait3A_23 = tpu.memref_slice %arg2[%add3A, %dma_wait3A, %dma_wait3A_22] : memref<32x10x1600xi32, #tpu.memory_space<hbm>> -> memref<1x10x1600xi32, #tpu.memory_space<hbm>>
      %dma_wait3A_24 = tpu.memref_squeeze %dma_wait3A_23 : memref<1x10x1600xi32, #tpu.memory_space<hbm>> -> memref<10x1600xi32, #tpu.memory_space<hbm>>
      %dma_wait3A_25 = arith.constant 0 : i32
      %dma_wait3A_26 = arith.constant 0 : i32
      %dma_wait3A_27 = tpu.memref_slice %arg2[%add3A, %dma_wait3A_25, %dma_wait3A_26] : memref<32x10x1600xi32, #tpu.memory_space<hbm>> -> memref<1x10x1600xi32, #tpu.memory_space<hbm>>
      %dma_wait3A_28 = tpu.memref_squeeze %dma_wait3A_27 : memref<1x10x1600xi32, #tpu.memory_space<hbm>> -> memref<10x1600xi32, #tpu.memory_space<hbm>>
      tpu.wait_dma2 semaphore(%run_scoped3A : memref<!tpu.dma_semaphore, #tpu.memory_space<semaphore_mem>>) src(%dma_wait3A_28 : memref<10x1600xi32, #tpu.memory_space<hbm>>) dst(%arg5 : memref<10x1600xi32, #tpu.memory_space<vmem>>)
      tpu.yield
    }) : () -> ()
    %barrier3A = arith.constant 0 : index
    tpu.barrier barrier_id(%barrier3A)
    %dma_start3A = arith.constant 0 : i32
    %dma_start3A_3 = arith.constant 0 : i32
    %dma_start3A_4 = tpu.memref_slice %arg5[%dma_start3A, %dma_start3A_3] : memref<10x1600xi32, #tpu.memory_space<vmem>> -> memref<1x1600xi32, #tpu.memory_space<vmem>>
    %dma_start3A_5 = tpu.memref_squeeze %dma_start3A_4 : memref<1x1600xi32, #tpu.memory_space<vmem>> -> memref<1600xi32, #tpu.memory_space<vmem>>
    %dma_start3A_6 = arith.constant 0 : i32
    %dma_start3A_7 = arith.constant 0 : i32
    %dma_start3A_8 = tpu.memref_slice %arg6[%dma_start3A_6, %dma_start3A_7] : memref<256x32xf32, #tpu.memory_space<vmem_shared>> -> memref<256x32xf32, #tpu.memory_space<vmem_shared>>
    tpu.enqueue_indirect_dma source(%dma_start3A_8 : memref<256x32xf32, #tpu.memory_space<vmem_shared>>) target(%arg7 : memref<1600x32xf32, #tpu.memory_space<vmem>>) offsets(%dma_start3A_5 : memref<1600xi32, #tpu.memory_space<vmem>>) semaphore(%arg9 : memref<!tpu.dma_semaphore, #tpu.memory_space<semaphore_mem>>)
    %scan3A = arith.constant 0 : i32
    %scan3A_9 = arith.constant 0 : i32
    %scan3A_10 = arith.constant 5 : i32
    %scan3A_11 = arith.addi %scan3A_9, %scan3A_10 : i32
    %scan3A_12 = arith.constant 1 : i32
    scf.for %scan3A_14 = %scan3A_9 to %scan3A_11 step %scan3A_12  : i32 {
      %mul3A_15 = arith.constant 2 : i32
      %mul3A_16 = arith.muli %mul3A_15, %scan3A_14 : i32
      %add3A_17 = arith.constant 1 : i32
      %add3A_18 = arith.addi %mul3A_16, %add3A_17 : i32
      %dma_start3A_19 = arith.constant 0 : i32
      %dma_start3A_20 = tpu.memref_slice %arg5[%add3A_18, %dma_start3A_19] : memref<10x1600xi32, #tpu.memory_space<vmem>> -> memref<1x1600xi32, #tpu.memory_space<vmem>>
      %dma_start3A_21 = tpu.memref_squeeze %dma_start3A_20 : memref<1x1600xi32, #tpu.memory_space<vmem>> -> memref<1600xi32, #tpu.memory_space<vmem>>
      %dma_start3A_22 = arith.constant 0 : i32
      %dma_start3A_23 = arith.constant 0 : i32
      %dma_start3A_24 = tpu.memref_slice %arg6[%dma_start3A_22, %dma_start3A_23] : memref<256x32xf32, #tpu.memory_space<vmem_shared>> -> memref<256x32xf32, #tpu.memory_space<vmem_shared>>
      tpu.enqueue_indirect_dma source(%dma_start3A_24 : memref<256x32xf32, #tpu.memory_space<vmem_shared>>) target(%arg8 : memref<1600x32xf32, #tpu.memory_space<vmem>>) offsets(%dma_start3A_21 : memref<1600xi32, #tpu.memory_space<vmem>>) semaphore(%arg10 : memref<!tpu.dma_semaphore, #tpu.memory_space<semaphore_mem>>)
      %dma_wait3A = arith.constant 0 : i32
      %dma_wait3A_25 = tpu.memref_slice %arg5[%mul3A_16, %dma_wait3A] : memref<10x1600xi32, #tpu.memory_space<vmem>> -> memref<1x1600xi32, #tpu.memory_space<vmem>>
      %dma_wait3A_26 = tpu.memref_squeeze %dma_wait3A_25 : memref<1x1600xi32, #tpu.memory_space<vmem>> -> memref<1600xi32, #tpu.memory_space<vmem>>
      %dma_wait3A_27 = arith.constant 0 : i32
      %dma_wait3A_28 = arith.constant 0 : i32
      %dma_wait3A_29 = tpu.memref_slice %arg6[%dma_wait3A_27, %dma_wait3A_28] : memref<256x32xf32, #tpu.memory_space<vmem_shared>> -> memref<256x32xf32, #tpu.memory_space<vmem_shared>>
      tpu.wait_indirect_dma semaphore(%arg9 : memref<!tpu.dma_semaphore, #tpu.memory_space<semaphore_mem>>) src(%dma_wait3A_29 : memref<256x32xf32, #tpu.memory_space<vmem_shared>>) dst(%arg7 : memref<1600x32xf32, #tpu.memory_space<vmem>>)
      %mul3A_30 = arith.constant 10 : i32
      %mul3A_31 = arith.muli %add3A, %mul3A_30 : i32
      %add3A_32 = arith.addi %mul3A_31, %mul3A_16 : i32
      %mul3A_33 = arith.constant 1600 : i32
      %mul3A_34 = arith.muli %add3A_32, %mul3A_33 : i32
      "tpu.region"() ({
        %run_scoped3A = tpu.sem_alloc : memref<!tpu.dma_semaphore, #tpu.memory_space<semaphore_mem>>
        %dma_start3A_56 = arith.constant 0 : i32
        %dma_start3A_57 = tpu.memref_slice %arg4[%mul3A_34, %dma_start3A_56] : memref<512000x32xf32, #tpu.memory_space<hbm>> -> memref<1600x32xf32, #tpu.memory_space<hbm>>
        %dma_start3A_58 = arith.constant 0 : i32
        %dma_start3A_59 = tpu.memref_slice %arg4[%mul3A_34, %dma_start3A_58] : memref<512000x32xf32, #tpu.memory_space<hbm>> -> memref<1600x32xf32, #tpu.memory_space<hbm>>
        tpu.enqueue_dma source(%arg7 : memref<1600x32xf32, #tpu.memory_space<vmem>>) target(%dma_start3A_59 : memref<1600x32xf32, #tpu.memory_space<hbm>>) target_semaphore(%run_scoped3A : memref<!tpu.dma_semaphore, #tpu.memory_space<semaphore_mem>>)
        %dma_wait3A_60 = arith.constant 0 : i32
        %dma_wait3A_61 = tpu.memref_slice %arg4[%mul3A_34, %dma_wait3A_60] : memref<512000x32xf32, #tpu.memory_space<hbm>> -> memref<1600x32xf32, #tpu.memory_space<hbm>>
        %dma_wait3A_62 = arith.constant 0 : i32
        %dma_wait3A_63 = tpu.memref_slice %arg4[%mul3A_34, %dma_wait3A_62] : memref<512000x32xf32, #tpu.memory_space<hbm>> -> memref<1600x32xf32, #tpu.memory_space<hbm>>
        tpu.wait_dma2 semaphore(%run_scoped3A : memref<!tpu.dma_semaphore, #tpu.memory_space<semaphore_mem>>) src(%arg7 : memref<1600x32xf32, #tpu.memory_space<vmem>>) dst(%dma_wait3A_63 : memref<1600x32xf32, #tpu.memory_space<hbm>>)
        tpu.yield
      }) : () -> ()
      %add3A_35 = arith.constant 1 : i32
      %add3A_36 = arith.addi %scan3A_14, %add3A_35 : i32
      %lt3A = arith.constant 5 : i32
      %lt3A_37 = arith.cmpi slt, %add3A_36, %lt3A : i32
      %convert_element_type3A_38 = arith.extui %lt3A_37 : i1 to i32
      %cond3A_39 = arith.constant 0 : i32
      %cond3A_40 = arith.cmpi ne, %convert_element_type3A_38, %cond3A_39 : i32
      scf.if %cond3A_40 {
        %add3A_56 = arith.constant 2 : i32
        %add3A_57 = arith.addi %mul3A_16, %add3A_56 : i32
        %dma_start3A_58 = arith.constant 0 : i32
        %dma_start3A_59 = tpu.memref_slice %arg5[%add3A_57, %dma_start3A_58] : memref<10x1600xi32, #tpu.memory_space<vmem>> -> memref<1x1600xi32, #tpu.memory_space<vmem>>
        %dma_start3A_60 = tpu.memref_squeeze %dma_start3A_59 : memref<1x1600xi32, #tpu.memory_space<vmem>> -> memref<1600xi32, #tpu.memory_space<vmem>>
        %dma_start3A_61 = arith.constant 0 : i32
        %dma_start3A_62 = arith.constant 0 : i32
        %dma_start3A_63 = tpu.memref_slice %arg6[%dma_start3A_61, %dma_start3A_62] : memref<256x32xf32, #tpu.memory_space<vmem_shared>> -> memref<256x32xf32, #tpu.memory_space<vmem_shared>>
        tpu.enqueue_indirect_dma source(%dma_start3A_63 : memref<256x32xf32, #tpu.memory_space<vmem_shared>>) target(%arg7 : memref<1600x32xf32, #tpu.memory_space<vmem>>) offsets(%dma_start3A_60 : memref<1600xi32, #tpu.memory_space<vmem>>) semaphore(%arg9 : memref<!tpu.dma_semaphore, #tpu.memory_space<semaphore_mem>>)
      } else {
      }
      %add3A_41 = arith.constant 1 : i32
      %add3A_42 = arith.addi %mul3A_16, %add3A_41 : i32
      %dma_wait3A_43 = arith.constant 0 : i32
      %dma_wait3A_44 = tpu.memref_slice %arg5[%add3A_42, %dma_wait3A_43] : memref<10x1600xi32, #tpu.memory_space<vmem>> -> memref<1x1600xi32, #tpu.memory_space<vmem>>
      %dma_wait3A_45 = tpu.memref_squeeze %dma_wait3A_44 : memref<1x1600xi32, #tpu.memory_space<vmem>> -> memref<1600xi32, #tpu.memory_space<vmem>>
      %dma_wait3A_46 = arith.constant 0 : i32
      %dma_wait3A_47 = arith.constant 0 : i32
      %dma_wait3A_48 = tpu.memref_slice %arg6[%dma_wait3A_46, %dma_wait3A_47] : memref<256x32xf32, #tpu.memory_space<vmem_shared>> -> memref<256x32xf32, #tpu.memory_space<vmem_shared>>
      tpu.wait_indirect_dma semaphore(%arg10 : memref<!tpu.dma_semaphore, #tpu.memory_space<semaphore_mem>>) src(%dma_wait3A_48 : memref<256x32xf32, #tpu.memory_space<vmem_shared>>) dst(%arg8 : memref<1600x32xf32, #tpu.memory_space<vmem>>)
      %add3A_49 = arith.constant 1 : i32
      %add3A_50 = arith.addi %mul3A_16, %add3A_49 : i32
      %mul3A_51 = arith.constant 10 : i32
      %mul3A_52 = arith.muli %add3A, %mul3A_51 : i32
      %add3A_53 = arith.addi %mul3A_52, %add3A_50 : i32
      %mul3A_54 = arith.constant 1600 : i32
      %mul3A_55 = arith.muli %add3A_53, %mul3A_54 : i32
      "tpu.region"() ({
        %run_scoped3A = tpu.sem_alloc : memref<!tpu.dma_semaphore, #tpu.memory_space<semaphore_mem>>
        %dma_start3A_56 = arith.constant 0 : i32
        %dma_start3A_57 = tpu.memref_slice %arg4[%mul3A_55, %dma_start3A_56] : memref<512000x32xf32, #tpu.memory_space<hbm>> -> memref<1600x32xf32, #tpu.memory_space<hbm>>
        %dma_start3A_58 = arith.constant 0 : i32
        %dma_start3A_59 = tpu.memref_slice %arg4[%mul3A_55, %dma_start3A_58] : memref<512000x32xf32, #tpu.memory_space<hbm>> -> memref<1600x32xf32, #tpu.memory_space<hbm>>
        tpu.enqueue_dma source(%arg8 : memref<1600x32xf32, #tpu.memory_space<vmem>>) target(%dma_start3A_59 : memref<1600x32xf32, #tpu.memory_space<hbm>>) target_semaphore(%run_scoped3A : memref<!tpu.dma_semaphore, #tpu.memory_space<semaphore_mem>>)
        %dma_wait3A_60 = arith.constant 0 : i32
        %dma_wait3A_61 = tpu.memref_slice %arg4[%mul3A_55, %dma_wait3A_60] : memref<512000x32xf32, #tpu.memory_space<hbm>> -> memref<1600x32xf32, #tpu.memory_space<hbm>>
        %dma_wait3A_62 = arith.constant 0 : i32
        %dma_wait3A_63 = tpu.memref_slice %arg4[%mul3A_55, %dma_wait3A_62] : memref<512000x32xf32, #tpu.memory_space<hbm>> -> memref<1600x32xf32, #tpu.memory_space<hbm>>
        tpu.wait_dma2 semaphore(%run_scoped3A : memref<!tpu.dma_semaphore, #tpu.memory_space<semaphore_mem>>) src(%arg8 : memref<1600x32xf32, #tpu.memory_space<vmem>>) dst(%dma_wait3A_63 : memref<1600x32xf32, #tpu.memory_space<hbm>>)
        tpu.yield
      }) : () -> ()
    }
    %scan3A_13 = arith.constant 5 : i32
    return
  }
}

module attributes {stable_mosaic.version = 14 : i64} {
  func.func @body(%arg0: i32, %arg1: memref<1x8x128xi32, #tpu.memory_space<vmem>>, %arg2: memref<256x64xbf16, #tpu.memory_space<vmem>>, %arg3: memref<1024x32xf32, #tpu.memory_space<vmem>>) attributes {dimension_semantics = [#tpu.dimension_semantics<arbitrary>], iteration_bounds = array<i64: 300>, scalar_prefetch = 0 : i64, scratch_operands = 0 : i64, tpu.core_type = #tpu.core_type<tc>, window_params = [{transform_indices = @transform_0, window_bounds = array<i64: 1, 8, 128>}, {pipeline_mode = #tpu.pipeline_mode<synchronous>, transform_indices = @transform_1, window_bounds = array<i64: 256, 64>}, {transform_indices = @transform_2, window_bounds = array<i64: 1024, 32>}]} {
    %get3A = arith.constant 0 : index
    %get3A_0 = arith.constant 0 : index
    %get3A_1 = arith.constant 0 : index
    %get3A_2 = vector.load %arg1[%get3A, %get3A_0, %get3A_1] : memref<1x8x128xi32, #tpu.memory_space<vmem>>, vector<1x8x128xi32>
    %get3A_3 = vector.shape_cast %get3A_2 : vector<1x8x128xi32> to vector<8x128xi32>
    %reshape3A = vector.shape_cast %get3A_3 : vector<8x128xi32> to vector<1x1024xi32>
    %iota3A = tpu.iota {dimensions = array<i32: 0>} : vector<256x1024xi32>
    %eq3A = vector.broadcast %reshape3A : vector<1x1024xi32> to vector<256x1024xi32>
    %eq3A_4 = arith.cmpi eq, %eq3A, %iota3A : vector<256x1024xi32>
    %convert_element_type3A = arith.extui %eq3A_4 : vector<256x1024xi1> to vector<256x1024xi32>
    %convert_element_type3A_5 = arith.sitofp %convert_element_type3A : vector<256x1024xi32> to vector<256x1024xf32>
    %convert_element_type3A_6 = arith.truncf %convert_element_type3A_5 : vector<256x1024xf32> to vector<256x1024xbf16>
    %get3A_7 = arith.constant 0 : index
    %get3A_8 = arith.constant 0 : index
    %get3A_9 = vector.load %arg2[%get3A_7, %get3A_8] : memref<256x64xbf16, #tpu.memory_space<vmem>>, vector<256x64xbf16>
    %dot_general3A = arith.constant dense<0.000000e+00> : vector<1024x64xf32>
    %dot_general3A_10 = tpu.matmul %convert_element_type3A_6, %get3A_9, %dot_general3A {dimension_numbers = #tpu.dot_dimension_numbers<[0], [0], [1], [1], [0, 1, 1, 1], [], []>, transpose_lhs_hint = false} : vector<256x1024xbf16>, vector<256x64xbf16>, vector<1024x64xf32> -> vector<1024x64xf32>
    %slice3A = vector.extract_strided_slice %dot_general3A_10 {offsets = [0, 0], sizes = [1024, 32], strides = [1, 1]} : vector<1024x64xf32> to vector<1024x32xf32>
    %slice3A_11 = vector.extract_strided_slice %dot_general3A_10 {offsets = [0, 32], sizes = [1024, 32], strides = [1, 1]} : vector<1024x64xf32> to vector<1024x32xf32>
    %add3A = arith.addf %slice3A, %slice3A_11 : vector<1024x32xf32>
    %swap3A = arith.constant 0 : index
    %swap3A_12 = arith.constant 0 : index
    %swap3A_13 = vector.load %arg3[%swap3A, %swap3A_12] : memref<1024x32xf32, #tpu.memory_space<vmem>>, vector<1024x32xf32>
    tpu.vector_store %arg3[%swap3A, %swap3A_12], %add3A {strides = array<i32>} : memref<1024x32xf32, #tpu.memory_space<vmem>>, vector<1024x32xf32>,
    return
  }
  func.func @transform_0(%arg0: i32) -> (i32, i32, i32) {
    %c0_i32 = arith.constant 0 : i32
    %c0_i32_0 = arith.constant 0 : i32
    %c0_i32_1 = arith.constant 0 : i32
    return %arg0, %c0_i32, %c0_i32_0 : i32, i32, i32
  }
  func.func @transform_1(%arg0: i32) -> (i32, i32) {
    %c0_i32 = arith.constant 0 : i32
    %c0_i32_0 = arith.constant 0 : i32
    %c0_i32_1 = arith.constant 0 : i32
    return %c0_i32, %c0_i32_0 : i32, i32
  }
  func.func @transform_2(%arg0: i32) -> (i32, i32) {
    %c0_i32 = arith.constant 0 : i32
    %c0_i32_0 = arith.constant 0 : i32
    return %arg0, %c0_i32 : i32, i32
  }
}

</mosaic_0001>

<sc_bundles>
// kernel: kernel.4.cloned.1.call-start
scs
__scs_entry_jumppad:
0x0: {  	(pc) =	sbr.rel $0x88, $3  }
0x1: {  	(tag) =	ssettag $0x0;
	lr =	simm.s32 $0x1  }
0x2: {  	[smem:$0x3F9F] =	sst lr;
	_ =	strace $0xD0000000  }
0x3: {  	_ = 	snop  }
0x4: {  	_ = 	snop  }
0x5: {  	_ = 	snop  }
0x6: {  	_ = 	snop  }
0x7: {  	_ = 	snop  }
__scs_overlays_trampoline_lowered:
0x8: {  	[smem:$0x3FAE] =	sst s0  }
0x9: {  	[smem:$0x3FAF] =	sst s1  }
0xa: {  	[smem:$0x3FB0] =	sst s2  }
0xb: {  	[smem:$0x3FB1] =	sst s3  }
0xc: {  	[smem:$0x3FB2] =	sst s4  }
0xd: {  	[smem:$0x3FB3] =	sst s5  }
0xe: {  	[smem:$0x3FB4] =	sst s6  }
0xf: {  	[smem:$0x3FB5] =	sst s7  }
0x10: {  	[smem:$0x3FB6] =	sst s8  }
0x11: {  	[smem:$0x3FB7] =	sst s9;
	s0 =	simm.s32 @!p0 $0x0  }
0x12: {  	s1 =	sld [smem:$0x3F9D];
	s0 =	simm.s32 @p0 $0x1  }
0x13: {  	[smem:$0x3FB8] =	sst s0;
	s0 =	simm.s32 @!p1 $0x0  }
0x14: {  	s2 =	sld [smem:$0x3F9C];
	s0 =	simm.s32 @p1 $0x1  }
0x15: {  	[smem:$0x3FB9] =	sst s0;
	s0 =	simm.s32 @!p2 $0x0  }
0x16: {  	s3 =	sld [smem:$0x3FDB];
	s0 =	simm.s32 @p2 $0x1  }
0x17: {  	s4 =	simm.s32 $0x1BF5;
	[smem:$0x3FBB] =	sst s0  }
0x18: {  	s0 =	sld [smem:$0x3F9E];
	_ =	swait.ge [sflag:s4], $0x0  }
0x19: {  	s7 =	sld [smem:$0x3F9F]  }
0x1a: {  	s8 =	sadd.s32 $0xFFFFE003, lr  }
0x1b: {  	s9 =	sadd.s32 $0xFFFFFEF7, lr;
	s5 =	simm.s32 $0xFFFFFFFF;
	p2 =	slt.u32 s8, $0xFFFFF086  }
0x1c: {  	p1 =	slt.u32 s9, $0xF7A;
	s5 =	simm.s32 @!p2 $0x0  }
0x1d: {  	s5 =	simm.s32 @p1 $0x1;
	p0 =	seq.s32 s7, s2  }
0x1e: {  	s7 =	smul.u32 @!p0 $0xF7A, s2;
	p2 =	seq.s32 @!p0 s5, $0x0  }
0x1f: {  	s9 =	smul.u32 $0xF7A, s1;
	s8 =	simm.s32 @!p0 $0x1BF5;
	p2 =	por !p2, p0  }
0x20: {  	[sflag:s8] =	ssyncset.s32 @!p0 $0xFFFFF086;
	s6 =	sadd.s32 @!p0 s3, s7;
	s7 =	simm.s32 @!p0 $0x108  }
0x21: {  	s3 =	sadd.s32 s3, s9;
	s6 =	sadd.s32 @!p0 $0x88, s6;
	s7 =	simm.s32 @p2 $0x1082  }
0x22: {  	[simem:s7], [sflag:s8] =	dma.local @!p0 [hbm:s6], $0xF7A  }
0x23: {  	s9 =	sor.u32 $0xD0000000, s2;
	s6 =	simm.s32 $0x108;
	_ =	swait.ge @!p0 [sflag:s8], $0x0  }
0x24: {  	s3 =	sadd.s32 $0x88, s3;
	s6 =	simm.s32 @!p1 $0x1082;
	[sflag:s4] =	ssyncset.s32 $0xFFFFF086  }
0x25: {  	[simem:s6], [sflag:s4] =	dma.local [hbm:s3], $0xF7A  }
0x26: {  	[smem:$0x3F9F] =	sst s1;
	(tag) =	ssettag s2;
	_ =	strace s9  }
0x27: {  	s1 =	sld [smem:$0x3FAF]  }
0x28: {  	s2 =	sld [smem:$0x3FB0]  }
0x29: {  	s4 =	sld [smem:$0x3FB2]  }
0x2a: {  	p0 =	seq.s32 s5, $0x0;
	s5 =	sld [smem:$0x3FB3]  }
0x2b: {  	s6 =	sld [smem:$0x3FB4]  }
0x2c: {  	s7 =	sld [smem:$0x3FB5]  }
0x2d: {  	s3 =	simm.s32 $0x108;
	s8 =	sld [smem:$0x3FB6]  }
0x2e: {  	s3 =	simm.s32 @!p0 $0x1082;
	s9 =	sld [smem:$0x3FB7]  }
0x2f: {  	lr =	sadd.s32 s0, s3;
	s0 =	sld [smem:$0x3FAE]  }
0x30: {  	s3 =	sld [smem:$0x3FB1]  }
0x31: {  	[smem:$0x3FBA] =	sst s10  }
0x32: {  	s10 =	sld [smem:$0x3FB8];
	_ =	sdelay $0x3  }
0x33: {  	p0 =	seq.s32 s10, $0x1;
	s10 =	sld [smem:$0x3FBA];
	_ =	sdelay $0x3  }
0x34: {  	[smem:$0x3FBA] =	sst s10  }
0x35: {  	s10 =	sld [smem:$0x3FB9];
	_ =	sdelay $0x3  }
0x36: {  	p1 =	seq.s32 s10, $0x1;
	s10 =	sld [smem:$0x3FBA];
	_ =	sdelay $0x3  }
0x37: {  	[smem:$0x3FBA] =	sst s10  }
0x38: {  	s10 =	sld [smem:$0x3FBB]  }
0x39: {  	_ = 	snop;
	(pc) =	sbr.ind lr, $3  }
0x3a: {  	_ = 	snop  }
0x3b: {  	_ = 	snop  }
0x3c: {  	p2 =	seq.s32 s10, $0x1;
	s10 =	sld [smem:$0x3FBA]  }
0x3d: {  	_ =	shalt  }
0x3e: {  	_ =	shalt  }
0x3f: {  	_ =	shalt  }
0x40: {  	_ =	shalt  }
0x41: {  	_ =	shalt  }
0x42: {  	_ =	shalt  }
0x43: {  	_ =	shalt  }
0x44: {  	_ =	shalt  }
0x45: {  	_ =	shalt  }
0x46: {  	_ =	shalt  }
0x47: {  	_ =	shalt  }
0x48: {  	_ =	shalt  }
0x49: {  	_ =	shalt  }
0x4a: {  	_ =	shalt  }
0x4b: {  	_ =	shalt  }
0x4c: {  	_ =	shalt  }
0x4d: {  	_ =	shalt  }
0x4e: {  	_ =	shalt  }
0x4f: {  	_ =	shalt  }
0x50: {  	_ =	shalt  }
0x51: {  	_ =	shalt  }
0x52: {  	_ =	shalt  }
0x53: {  	_ =	shalt  }
0x54: {  	_ =	shalt  }
0x55: {  	_ =	shalt  }
0x56: {  	_ =	shalt  }
0x57: {  	_ =	shalt  }
0x58: {  	_ =	shalt  }
0x59: {  	_ =	shalt  }
0x5a: {  	_ =	shalt  }
0x5b: {  	_ =	shalt  }
0x5c: {  	_ =	shalt  }
0x5d: {  	_ =	shalt  }
0x5e: {  	_ =	shalt  }
0x5f: {  	_ =	shalt  }
0x60: {  	_ =	shalt  }
0x61: {  	_ =	shalt  }
0x62: {  	_ =	shalt  }
0x63: {  	_ =	shalt  }
0x64: {  	_ =	shalt  }
0x65: {  	_ =	shalt  }
0x66: {  	_ =	shalt  }
0x67: {  	_ =	shalt  }
0x68: {  	_ =	shalt  }
0x69: {  	_ =	shalt  }
0x6a: {  	_ =	shalt  }
0x6b: {  	_ =	shalt  }
0x6c: {  	_ =	shalt  }
0x6d: {  	_ =	shalt  }
0x6e: {  	_ =	shalt  }
0x6f: {  	_ =	shalt  }
0x70: {  	_ =	shalt  }
0x71: {  	_ =	shalt  }
0x72: {  	_ =	shalt  }
0x73: {  	_ =	shalt  }
0x74: {  	_ =	shalt  }
0x75: {  	_ =	shalt  }
0x76: {  	_ =	shalt  }
0x77: {  	_ =	shalt  }
0x78: {  	_ =	shalt  }
0x79: {  	_ =	shalt  }
0x7a: {  	_ =	shalt  }
0x7b: {  	_ =	shalt  }
0x7c: {  	_ =	shalt  }
0x7d: {  	_ =	shalt  }
0x7e: {  	_ =	shalt  }
0x7f: {  	_ =	shalt  }
0x80: {  	_ =	shalt  }
0x81: {  	_ =	shalt  }
0x82: {  	_ =	shalt  }
0x83: {  	_ =	shalt  }
0x84: {  	_ =	shalt  }
0x85: {  	_ =	shalt  }
0x86: {  	_ =	shalt  }
0x87: {  	_ =	shalt  }
.Lfunc_end0:
.L_simem_size_0:
called_computation.2_lowered:
.L_overlay_start_0:
0x88: {  	s2 =	sld [smem:$0x3FD9]  }
0x89: {  	s3 =	sld [smem:$0x3FFE];
	_ =	sdelay $0x1  }
0x8a: {  	s1 =	srdreg.scid  }
0x8b: {  	s0 =	sand.u32 $0x1, s1  }
0x8c: {  	s17 =	sshll.u32 s0, $0xA;
	s2 =	sadd.s32 s3, s2  }
0x8d: {  	s2 =	sadd.s32 s2, s17  }
0x8e: {  	[smem:$0x3FC6] =	sst s2  }
0x8f: {  	_ = 	snop  }
0x90: {  	s2 =	sld [smem:$0x3FD0];
	(tm) =	ssettm $0x1  }
0x91: {  	s18 =	sld [smem:$0x3FFB];
	_ =	sdelay $0x3  }
0x92: {  	_ =	strace s18  }
0x93: {  	s3 =	sld [smem:$0x3FFC];
	_ =	sdelay $0x3  }
0x94: {  	_ =	strace s3  }
0x95: {  	s3 =	sld [smem:$0x3FFD];
	_ =	sdelay $0x3  }
0x96: {  	_ =	strace s3  }
0x97: {  	_ =	strace $0x8FFFFFFF  }
0x98: {  	s19 =	sld [smem:$0x3FDB];
	_ =	sdelay $0x1  }
0x99: {  	s4 =	simm.s32 $_scs_section_size  }
0x9a: {  	s5 =	simm.s32 $_size__tile_overlayer_lowered;
	s6 =	simm.s32 $_tile_overlayer_lowered  }
0x9b: {  	s22 =	simm.s32 $0x1BFF;
	s21 =	sshll.u32 s6, $0x1;
	s3 =	sadd.s32 s4, s19  }
0x9c: {  	s7 =	simm.s32 $0x0;
	s20 =	sshll.u32 s5, $0x1;
	s5 =	sadd.s32 s21, s3  }
0x9d: {  	[timem:s7], [sflag:s22] =	dma.local [hbm:s5], s20  }
0x9e: {  	_ =	swait.ge [sflag:s22], s20  }
0x9f: {  	s4 =	ssub.s32 $0x0, s20;
	[sflag:s22] =	ssyncset.done $0x0  }
0xa0: {  	[sflag:s22] =	ssyncadd.s32 s4;
	_ =	sdelay $0x1  }
0xa1: {  	s23 =	simm.s32 $0x1B8B  }
0xa2: {  	_ =	swait.ge [sflag:s23], $0x1  }
0xa3: {  	[sflag:s23] =	ssyncset.done $0x0  }
0xa4: {  	s25 =	simm.s32 $0x1B8E;
	s24 =	sld [smem:$0x3FFE];
	[sflag:s23] =	ssyncadd.s32 $0xFFFFFFFF  }
0xa5: {  	s26 =	simm.s32 $execute0_lowered;
	[smem:$0x3FD2] =	sst s25  }
0xa6: {  	s5 =	sshll.u32 s26, $0x1;
	_ =	strace $0x80000046;
	[dreg:$0x1] =	wrdreg $0xFFFFFFFF  }
0xa7: {  	s28 =	simm.s32 $_size_execute0_lowered;
	s3 =	sadd.s32 s3, s5;
	[dreg:$0x0] =	wrdreg $0x0  }
0xa8: {  	s5 =	sshll.u32 s28, $0x1;
	[dreg:$0x2] =	wrdreg s3  }
0xa9: {  	[dreg:$0x3] =	wrdreg s5  }
0xaa: {  	[dreg:$0x4] =	wrdreg $0xC0  }
0xab: {  	_ =	task [dreg:s7], $0x5FFFF  }
0xac: {  	[dreg:$0x1] =	wrdreg $0xFFFFFFFF  }
0xad: {  	[dreg:$0x0] =	wrdreg $0x60  }
0xae: {  	[dreg:$0x2] =	wrdreg s24  }
0xaf: {  	[dreg:$0x3] =	wrdreg s2  }
0xb0: {  	[dreg:$0x4] =	wrdreg $0x3E800  }
0xb1: {  	[dreg:$0x5] =	wrdreg $0x9  }
0xb2: {  	_ =	task.clear_ibuf [dreg:s7], $0x6FFFF;
	_ =	strace $0x90000046  }
0xb3: {  	s29 =	simm.s32 $0x9;
	_ =	strace $0x80000048  }
0xb4: {  	_ =	swait.ge [sflag:s29], $0x1  }
0xb5: {  	[sflag:s29] =	ssyncadd.s32 $0xFFFFFFFF  }
0xb6: {  	_ =	strace $0x90000048  }
0xb7: {  	_ =	sfence  }
0xb8: {  	s30 =	sld [smem:$0x0];
	_ =	sdelay $0x2  }
0xb9: {  	s31 =	sshll.u32 s1, $0xD;
	s1 =	sshrl.u32 s1, $0x2  }
0xba: {  	s3 =	sand.u32 $0x4000, s31;
	s1 =	sadd.s32 s1, s30  }
0xbb: {  	s0 =	sor.u32 s3, s0;
	s1 =	sshll.u32 s1, $0x11  }
0xbc: {  	s0 =	sor.u32 s1, s0  }
0xbd: {  	s0 =	sadd.s32 $0x8F2B, s0  }
0xbe: {  	[sflag:s0] =	ssyncadd.remote.s32 $0x1  }
0xbf: {  	_ =	sfence.sel $0xFFFF  }
0xc0: {  	[dreg:$0x0] =	wrdreg $0xFFFFFFFF;
	(pc) =	sbr.abs _section_cstart, $3  }
0xc1: {  	[dreg:$0x1] =	wrdreg $0xFFFFFFFF  }
0xc2: {  	_ =	task.clear_ibuf [dreg:s7], $0x2FFFF;
	_ =	strace $0x9FFFFFFF  }
0xc3: {  	(tm) =	ssettm $0x7FFFFFFF  }
tec
execute0_lowered:
.L_overlay_start_1:
0x0: {  	(tag) =	ssettag $0x1  }
0x1: {  	s0 =	srdreg.scid;
	s4 =	stileid.u32  }
0x2: {  	s3 =	rddreg [dreg:$0x0];
	s30 =	sand.u32 $0x1, s0;
	s5 =	sshll.u32 s4, $0x1  }
0x3: {  	s11 =	rddreg [dreg:$0x1];
	s12 =	sor.u32 s30, s5  }
0x4: {  	s1 =	rddreg [dreg:$0x2];
	s2 =	simm.s32 $0x0;
	s5 =	smul.u32 $0x7D0, s12  }
0x5: {  	[smem:$0x7FF] =	sst s2;
	s6 =	sadd.s32 $0x2400, s3;
	p0 =	sne.s32 s4, $0x0  }
0x6: {  	_ =	strace $0x80000047;
	[dreg:$0x4] =	wrdreg s6;
	s3 =	sadd.s32 s5, s3  }
0x7: {  	s4 =	simm.s32 @!p0 $0x1C03;
	s6 =	rddreg [dreg:$0x4];
	s3 =	sadd.s32 $0x2800, s3  }
0x8: {  	s5 =	simm.s32 @!p0 $0x3;
	[dreg:$0x5] =	wrdreg s3;
	s3 =	sshrl.u32 @!p0 s1, $0x3  }
0x9: {  	[spmem:s3], [sflag:s4] =	dma.local @!p0 [hbm:s6], $0x400  }
0xa: {  	_ =	swait.ge @!p0 [sflag:s5], $0x400  }
0xb: {  	[sflag:s5] =	ssyncset.done @!p0 $0x0  }
0xc: {  	s6 =	simm.s32 $0x3;
	s7 =	rddreg [dreg:$0x5];
	[sflag:s5] =	ssyncadd.s32 @!p0 $0xFFFFFC00  }
0xd: {  	[tilespmem:s2], [sflag:$0x3] =	stream.linear.gather [hbm4b:s7+s2], $0x3E80, $0x38;
	[tilespmem:$0x1D080] =	vst v63  }
0xe: {  	_ =	swait.ge [sflag:s6], $0x3E80  }
0xf: {  	[sflag:s6] =	ssyncset.done $0x0  }
0x10: {  	[sflag:s6] =	ssyncadd.s32 $0xFFFFC180  }
0x11: {  	s8 =	simm.s32 $0x4080;
	s7 =	simm.s32 $0x640;
	[bflag:$0x0] =	sbarrier.arrive $0xFFFF  }
0x12: {  	[tilespmem:s8], [sflag:$0x1] =	stream.indirect.gather [spmem:s1], $0x20, s2, s7, $0xb8;
	[tilespmem:$0x1D080] =	vst v63  }
0x13: {  	s9 =	simm.s32 $0x10880;
	s10 =	simm.s32 $0x1  }
0x14: {  	[tilespmem:s9], [sflag:$0x2] =	stream.indirect.gather [spmem:s1], $0x20, s7, s7, $0xb8;
	[tilespmem:$0x1D080] =	vst v63  }
0x15: {  	s12 =	smul.u32 $0xFA00, s12;
	_ =	swait.ge [sflag:s10], $0xC800  }
0x16: {  	[sflag:s10] =	ssyncset.done $0x0  }
0x17: {  	s11 =	sadd.s32 s11, s12;
	[sflag:s10] =	ssyncadd.s32 $0xFFFF3800  }
0x18: {  	[hbm4b:s11+s2] =	stream.linear.scatter [tilespmem:s8], [sflag:$0x3], $0xC800, $0x38;
	[tilespmem:$0x1D080] =	vst v63  }
0x19: {  	_ =	swait.ge [sflag:s6], $0xC800  }
0x1a: {  	[sflag:s6] =	ssyncset.done $0x0  }
0x1b: {  	s13 =	simm.s32 $0x2;
	s12 =	simm.s32 $0xC80;
	[sflag:s6] =	ssyncadd.s32 $0xFFFF3800  }
0x1c: {  	[tilespmem:s8], [sflag:$0x1] =	stream.indirect.gather [spmem:s1], $0x20, s12, s7, $0xb8;
	[tilespmem:$0x1D080] =	vst v63  }
0x1d: {  	_ =	swait.ge [sflag:s13], $0xC800  }
0x1e: {  	[sflag:s13] =	ssyncset.done $0x0  }
0x1f: {  	s14 =	sadd.s32 $0x1900, s11;
	[sflag:s13] =	ssyncadd.s32 $0xFFFF3800  }
0x20: {  	[hbm4b:s14+s2] =	stream.linear.scatter [tilespmem:s9], [sflag:$0x3], $0xC800, $0x38;
	[tilespmem:$0x1D080] =	vst v63  }
0x21: {  	_ =	swait.ge [sflag:s6], $0xC800  }
0x22: {  	[sflag:s6] =	ssyncset.done $0x0  }
0x23: {  	s15 =	simm.s32 $0x12C0;
	[sflag:s6] =	ssyncadd.s32 $0xFFFF3800  }
0x24: {  	[tilespmem:s9], [sflag:$0x2] =	stream.indirect.gather [spmem:s1], $0x20, s15, s7, $0xb8;
	[tilespmem:$0x1D080] =	vst v63  }
0x25: {  	_ =	swait.ge [sflag:s10], $0xC800  }
0x26: {  	[sflag:s10] =	ssyncset.done $0x0  }
0x27: {  	s16 =	sadd.s32 $0x3200, s11;
	[sflag:s10] =	ssyncadd.s32 $0xFFFF3800  }
0x28: {  	[hbm4b:s16+s2] =	stream.linear.scatter [tilespmem:s8], [sflag:$0x3], $0xC800, $0x38;
	[tilespmem:$0x1D080] =	vst v63  }
0x29: {  	_ =	swait.ge [sflag:s6], $0xC800  }
0x2a: {  	[sflag:s6] =	ssyncset.done $0x0  }
0x2b: {  	s17 =	simm.s32 $0x1900;
	[sflag:s6] =	ssyncadd.s32 $0xFFFF3800  }
0x2c: {  	[tilespmem:s8], [sflag:$0x1] =	stream.indirect.gather [spmem:s1], $0x20, s17, s7, $0xb8;
	[tilespmem:$0x1D080] =	vst v63  }
0x2d: {  	_ =	swait.ge [sflag:s13], $0xC800  }
0x2e: {  	[sflag:s13] =	ssyncset.done $0x0  }
0x2f: {  	s18 =	sadd.s32 $0x4B00, s11;
	[sflag:s13] =	ssyncadd.s32 $0xFFFF3800  }
0x30: {  	[hbm4b:s18+s2] =	stream.linear.scatter [tilespmem:s9], [sflag:$0x3], $0xC800, $0x38;
	[tilespmem:$0x1D080] =	vst v63  }
0x31: {  	_ =	swait.ge [sflag:s6], $0xC800  }
0x32: {  	[sflag:s6] =	ssyncset.done $0x0  }
0x33: {  	s19 =	simm.s32 $0x1F40;
	[sflag:s6] =	ssyncadd.s32 $0xFFFF3800  }
0x34: {  	[tilespmem:s9], [sflag:$0x2] =	stream.indirect.gather [spmem:s1], $0x20, s19, s7, $0xb8;
	[tilespmem:$0x1D080] =	vst v63  }
0x35: {  	_ =	swait.ge [sflag:s10], $0xC800  }
0x36: {  	[sflag:s10] =	ssyncset.done $0x0  }
0x37: {  	s20 =	sadd.s32 $0x6400, s11;
	[sflag:s10] =	ssyncadd.s32 $0xFFFF3800  }
0x38: {  	[hbm4b:s20+s2] =	stream.linear.scatter [tilespmem:s8], [sflag:$0x3], $0xC800, $0x38;
	[tilespmem:$0x1D080] =	vst v63  }
0x39: {  	_ =	swait.ge [sflag:s6], $0xC800  }
0x3a: {  	[sflag:s6] =	ssyncset.done $0x0  }
0x3b: {  	s21 =	simm.s32 $0x2580;
	[sflag:s6] =	ssyncadd.s32 $0xFFFF3800  }
0x3c: {  	[tilespmem:s8], [sflag:$0x1] =	stream.indirect.gather [spmem:s1], $0x20, s21, s7, $0xb8;
	[tilespmem:$0x1D080] =	vst v63  }
0x3d: {  	_ =	swait.ge [sflag:s13], $0xC800  }
0x3e: {  	[sflag:s13] =	ssyncset.done $0x0  }
0x3f: {  	s22 =	sadd.s32 $0x7D00, s11;
	[sflag:s13] =	ssyncadd.s32 $0xFFFF3800  }
0x40: {  	[hbm4b:s22+s2] =	stream.linear.scatter [tilespmem:s9], [sflag:$0x3], $0xC800, $0x38;
	[tilespmem:$0x1D080] =	vst v63  }
0x41: {  	_ =	swait.ge [sflag:s6], $0xC800  }
0x42: {  	[sflag:s6] =	ssyncset.done $0x0  }
0x43: {  	s23 =	simm.s32 $0x2BC0;
	[sflag:s6] =	ssyncadd.s32 $0xFFFF3800  }
0x44: {  	[tilespmem:s9], [sflag:$0x2] =	stream.indirect.gather [spmem:s1], $0x20, s23, s7, $0xb8;
	[tilespmem:$0x1D080] =	vst v63  }
0x45: {  	_ =	swait.ge [sflag:s10], $0xC800  }
0x46: {  	[sflag:s10] =	ssyncset.done $0x0  }
0x47: {  	s24 =	sadd.s32 $0x9600, s11;
	[sflag:s10] =	ssyncadd.s32 $0xFFFF3800  }
0x48: {  	[hbm4b:s24+s2] =	stream.linear.scatter [tilespmem:s8], [sflag:$0x3], $0xC800, $0x38;
	[tilespmem:$0x1D080] =	vst v63  }
0x49: {  	_ =	swait.ge [sflag:s6], $0xC800  }
0x4a: {  	[sflag:s6] =	ssyncset.done $0x0  }
0x4b: {  	s25 =	simm.s32 $0x3200;
	[sflag:s6] =	ssyncadd.s32 $0xFFFF3800  }
0x4c: {  	[tilespmem:s8], [sflag:$0x1] =	stream.indirect.gather [spmem:s1], $0x20, s25, s7, $0xb8;
	[tilespmem:$0x1D080] =	vst v63  }
0x4d: {  	_ =	swait.ge [sflag:s13], $0xC800  }
0x4e: {  	[sflag:s13] =	ssyncset.done $0x0  }
0x4f: {  	s26 =	sadd.s32 $0xAF00, s11;
	[sflag:s13] =	ssyncadd.s32 $0xFFFF3800  }
0x50: {  	[hbm4b:s26+s2] =	stream.linear.scatter [tilespmem:s9], [sflag:$0x3], $0xC800, $0x38;
	[tilespmem:$0x1D080] =	vst v63  }
0x51: {  	_ =	swait.ge [sflag:s6], $0xC800  }
0x52: {  	[sflag:s6] =	ssyncset.done $0x0  }
0x53: {  	s28 =	simm.s32 $0x3840;
	[sflag:s6] =	ssyncadd.s32 $0xFFFF3800  }
0x54: {  	[tilespmem:s9], [sflag:$0x2] =	stream.indirect.gather [spmem:s1], $0x20, s28, s7, $0xb8;
	[tilespmem:$0x1D080] =	vst v63  }
0x55: {  	s30 =	ssub.s32 $0x2, s30;
	_ =	swait.ge [sflag:s10], $0xC800  }
0x56: {  	s31 =	sshrl.u32 s30, $0x1;
	[sflag:s10] =	ssyncset.done $0x0  }
0x57: {  	s30 =	ssub.s32 s30, s31;
	s29 =	sadd.s32 $0xC800, s11;
	[sflag:s10] =	ssyncadd.s32 $0xFFFF3800  }
0x58: {  	[hbm4b:s29+s2] =	stream.linear.scatter [tilespmem:s8], [sflag:$0x3], $0xC800, $0x38;
	[tilespmem:$0x1D080] =	vst v63  }
0x59: {  	s30 =	smax.u32 s30, $0x1;
	_ =	swait.ge [sflag:s6], $0xC800  }
0x5a: {  	s30 =	sadd.s32 $0xFFFFFFFF, s30;
	[sflag:s6] =	ssyncset.done $0x0  }
0x5b: {  	p1 =	sne.s32 s30, $0x0;
	[sflag:s6] =	ssyncadd.s32 $0xFFFF3800  }
.Ltmp0:
0x5c: {  	_ =	swait.ge [sflag:s13], $0xC800;
	(pc) =	sbr.rel @!p1 .LBB2_2-.Ltmp0, $4  }
0x5d: {  	[sflag:s13] =	ssyncset.done $0x0  }
0x5e: {  	s31 =	sadd.s32 $0xE100, s11;
	[sflag:s13] =	ssyncadd.s32 $0xFFFF3800  }
0x5f: {  	[hbm4b:s31+s2] =	stream.linear.scatter [tilespmem:s9], [sflag:$0x3], $0xC800, $0x38;
	[tilespmem:$0x1D080] =	vst v63  }
0x60: {  	_ =	swait.ge [sflag:s6], $0xC800  }
.LBB2_1:
0x61: {  	[sflag:s6] =	ssyncset.done $0x0  }
0x62: {  	s0 =	rddreg [dreg:$0x4];
	[sflag:s6] =	ssyncadd.s32 $0xFFFF3800  }
0x63: {  	[spmem:s3], [sflag:s4] =	dma.local @!p0 [hbm:s0], $0x400  }
0x64: {  	_ =	swait.ge @!p0 [sflag:s5], $0x400  }
0x65: {  	[sflag:s5] =	ssyncset.done @!p0 $0x0  }
0x66: {  	s0 =	rddreg [dreg:$0x5];
	[sflag:s5] =	ssyncadd.s32 @!p0 $0xFFFFFC00  }
0x67: {  	[tilespmem:s2], [sflag:$0x3] =	stream.linear.gather [hbm4b:s0+s2], $0x3E80, $0x38;
	[tilespmem:$0x1D080] =	vst v63  }
0x68: {  	_ =	swait.ge [sflag:s6], $0x3E80  }
0x69: {  	[sflag:s6] =	ssyncset.done $0x0  }
0x6a: {  	[sflag:s6] =	ssyncadd.s32 $0xFFFFC180  }
0x6b: {  	[bflag:$0x0] =	sbarrier.arrive $0xFFFF  }
0x6c: {  	[tilespmem:s8], [sflag:$0x1] =	stream.indirect.gather [spmem:s1], $0x20, s2, s7, $0xb8;
	[tilespmem:$0x1D080] =	vst v63  }
0x6d: {  	_ = 	snop  }
0x6e: {  	[tilespmem:s9], [sflag:$0x2] =	stream.indirect.gather [spmem:s1], $0x20, s7, s7, $0xb8;
	[tilespmem:$0x1D080] =	vst v63  }
0x6f: {  	_ =	swait.ge [sflag:s10], $0xC800  }
0x70: {  	[sflag:s10] =	ssyncset.done $0x0  }
0x71: {  	[sflag:s10] =	ssyncadd.s32 $0xFFFF3800  }
0x72: {  	[hbm4b:s11+s2] =	stream.linear.scatter [tilespmem:s8], [sflag:$0x3], $0xC800, $0x38;
	[tilespmem:$0x1D080] =	vst v63  }
0x73: {  	_ =	swait.ge [sflag:s6], $0xC800  }
0x74: {  	[sflag:s6] =	ssyncset.done $0x0  }
0x75: {  	[sflag:s6] =	ssyncadd.s32 $0xFFFF3800  }
0x76: {  	[tilespmem:s8], [sflag:$0x1] =	stream.indirect.gather [spmem:s1], $0x20, s12, s7, $0xb8;
	[tilespmem:$0x1D080] =	vst v63  }
0x77: {  	_ =	swait.ge [sflag:s13], $0xC800  }
0x78: {  	[sflag:s13] =	ssyncset.done $0x0  }
0x79: {  	[sflag:s13] =	ssyncadd.s32 $0xFFFF3800  }
0x7a: {  	[hbm4b:s14+s2] =	stream.linear.scatter [tilespmem:s9], [sflag:$0x3], $0xC800, $0x38;
	[tilespmem:$0x1D080] =	vst v63  }
0x7b: {  	_ =	swait.ge [sflag:s6], $0xC800  }
0x7c: {  	[sflag:s6] =	ssyncset.done $0x0  }
0x7d: {  	[sflag:s6] =	ssyncadd.s32 $0xFFFF3800  }
0x7e: {  	[tilespmem:s9], [sflag:$0x2] =	stream.indirect.gather [spmem:s1], $0x20, s15, s7, $0xb8;
	[tilespmem:$0x1D080] =	vst v63  }
0x7f: {  	_ =	swait.ge [sflag:s10], $0xC800  }
0x80: {  	[sflag:s10] =	ssyncset.done $0x0  }
0x81: {  	[sflag:s10] =	ssyncadd.s32 $0xFFFF3800  }
0x82: {  	[hbm4b:s16+s2] =	stream.linear.scatter [tilespmem:s8], [sflag:$0x3], $0xC800, $0x38;
	[tilespmem:$0x1D080] =	vst v63  }
0x83: {  	_ =	swait.ge [sflag:s6], $0xC800  }
0x84: {  	[sflag:s6] =	ssyncset.done $0x0  }
0x85: {  	[sflag:s6] =	ssyncadd.s32 $0xFFFF3800  }
0x86: {  	[tilespmem:s8], [sflag:$0x1] =	stream.indirect.gather [spmem:s1], $0x20, s17, s7, $0xb8;
	[tilespmem:$0x1D080] =	vst v63  }
0x87: {  	_ =	swait.ge [sflag:s13], $0xC800  }
0x88: {  	[sflag:s13] =	ssyncset.done $0x0  }
0x89: {  	[sflag:s13] =	ssyncadd.s32 $0xFFFF3800  }
0x8a: {  	[hbm4b:s18+s2] =	stream.linear.scatter [tilespmem:s9], [sflag:$0x3], $0xC800, $0x38;
	[tilespmem:$0x1D080] =	vst v63  }
0x8b: {  	_ =	swait.ge [sflag:s6], $0xC800  }
0x8c: {  	[sflag:s6] =	ssyncset.done $0x0  }
0x8d: {  	[sflag:s6] =	ssyncadd.s32 $0xFFFF3800  }
0x8e: {  	[tilespmem:s9], [sflag:$0x2] =	stream.indirect.gather [spmem:s1], $0x20, s19, s7, $0xb8;
	[tilespmem:$0x1D080] =	vst v63  }
0x8f: {  	_ =	swait.ge [sflag:s10], $0xC800  }
0x90: {  	[sflag:s10] =	ssyncset.done $0x0  }
0x91: {  	[sflag:s10] =	ssyncadd.s32 $0xFFFF3800  }
0x92: {  	[hbm4b:s20+s2] =	stream.linear.scatter [tilespmem:s8], [sflag:$0x3], $0xC800, $0x38;
	[tilespmem:$0x1D080] =	vst v63  }
0x93: {  	_ =	swait.ge [sflag:s6], $0xC800  }
0x94: {  	[sflag:s6] =	ssyncset.done $0x0  }
0x95: {  	[sflag:s6] =	ssyncadd.s32 $0xFFFF3800  }
0x96: {  	[tilespmem:s8], [sflag:$0x1] =	stream.indirect.gather [spmem:s1], $0x20, s21, s7, $0xb8;
	[tilespmem:$0x1D080] =	vst v63  }
0x97: {  	_ =	swait.ge [sflag:s13], $0xC800  }
0x98: {  	[sflag:s13] =	ssyncset.done $0x0  }
0x99: {  	[sflag:s13] =	ssyncadd.s32 $0xFFFF3800  }
0x9a: {  	[hbm4b:s22+s2] =	stream.linear.scatter [tilespmem:s9], [sflag:$0x3], $0xC800, $0x38;
	[tilespmem:$0x1D080] =	vst v63  }
0x9b: {  	_ =	swait.ge [sflag:s6], $0xC800  }
0x9c: {  	[sflag:s6] =	ssyncset.done $0x0  }
0x9d: {  	[sflag:s6] =	ssyncadd.s32 $0xFFFF3800  }
0x9e: {  	[tilespmem:s9], [sflag:$0x2] =	stream.indirect.gather [spmem:s1], $0x20, s23, s7, $0xb8;
	[tilespmem:$0x1D080] =	vst v63  }
0x9f: {  	_ =	swait.ge [sflag:s10], $0xC800  }
0xa0: {  	[sflag:s10] =	ssyncset.done $0x0  }
0xa1: {  	[sflag:s10] =	ssyncadd.s32 $0xFFFF3800  }
0xa2: {  	[hbm4b:s24+s2] =	stream.linear.scatter [tilespmem:s8], [sflag:$0x3], $0xC800, $0x38;
	[tilespmem:$0x1D080] =	vst v63  }
0xa3: {  	_ =	swait.ge [sflag:s6], $0xC800  }
0xa4: {  	[sflag:s6] =	ssyncset.done $0x0  }
0xa5: {  	[sflag:s6] =	ssyncadd.s32 $0xFFFF3800  }
0xa6: {  	[tilespmem:s8], [sflag:$0x1] =	stream.indirect.gather [spmem:s1], $0x20, s25, s7, $0xb8;
	[tilespmem:$0x1D080] =	vst v63  }
0xa7: {  	_ =	swait.ge [sflag:s13], $0xC800  }
0xa8: {  	[sflag:s13] =	ssyncset.done $0x0  }
0xa9: {  	[sflag:s13] =	ssyncadd.s32 $0xFFFF3800  }
0xaa: {  	[hbm4b:s26+s2] =	stream.linear.scatter [tilespmem:s9], [sflag:$0x3], $0xC800, $0x38;
	[tilespmem:$0x1D080] =	vst v63  }
0xab: {  	_ =	swait.ge [sflag:s6], $0xC800  }
0xac: {  	[sflag:s6] =	ssyncset.done $0x0  }
0xad: {  	[sflag:s6] =	ssyncadd.s32 $0xFFFF3800  }
0xae: {  	[tilespmem:s9], [sflag:$0x2] =	stream.indirect.gather [spmem:s1], $0x20, s28, s7, $0xb8;
	[tilespmem:$0x1D080] =	vst v63  }
0xaf: {  	_ =	swait.ge [sflag:s10], $0xC800  }
0xb0: {  	[sflag:s10] =	ssyncset.done $0x0  }
0xb1: {  	[sflag:s10] =	ssyncadd.s32 $0xFFFF3800  }
0xb2: {  	[hbm4b:s29+s2] =	stream.linear.scatter [tilespmem:s8], [sflag:$0x3], $0xC800, $0x38;
	[tilespmem:$0x1D080] =	vst v63  }
0xb3: {  	_ =	swait.ge [sflag:s6], $0xC800  }
0xb4: {  	s30 =	sadd.s32 $0xFFFFFFFF, s30;
	[sflag:s6] =	ssyncset.done $0x0  }
0xb5: {  	p1 =	sne.s32 s30, $0x0;
	[sflag:s6] =	ssyncadd.s32 $0xFFFF3800  }
.Ltmp1:
0xb6: {  	_ =	swait.ge [sflag:s13], $0xC800;
	(pc) =	sbr.rel @p1 .LBB2_1-.Ltmp1, $4  }
0xb7: {  	[sflag:s13] =	ssyncset.done $0x0  }
0xb8: {  	[sflag:s13] =	ssyncadd.s32 $0xFFFF3800  }
0xb9: {  	[hbm4b:s31+s2] =	stream.linear.scatter [tilespmem:s9], [sflag:$0x3], $0xC800, $0x38;
	[tilespmem:$0x1D080] =	vst v63  }
0xba: {  	_ =	swait.ge [sflag:s6], $0xC800  }
.LBB2_2:
0xbb: {  	[sflag:s6] =	ssyncset.done $0x0  }
0xbc: {  	[sflag:s6] =	ssyncadd.s32 $0xFFFF3800  }
0xbd: {  	_ =	sfence.sel $0x180000  }
0xbe: {  	[bflag:$0x0] =	sbarrier.arrive $0xFFFF  }
0xbf: {  	_ =	strace $0x90000047  }
0xc0: {  	[bflag:$0x2] =	sbarrier.arrive $0xFFFF  }
0xc1: {  	s0 =	rddreg [dreg:$0x3]  }
0xc2: {  	s0 =	sadd.s32 @!p0 $0x100000, s0  }
0xc3: {  	[sflag:s0] =	ssyncadd.tile.s32 @!p0 $0x1;
	_ =	shalt  }
.Lfunc_end2:
_tile_overlayer_lowered:
.L_overlay_start_2:
0xc4: {  	(tag) =	ssettag $0x2  }
0xc5: {  	s0 =	rddreg [dreg:$0x0];
	s2 =	stileid.u32  }
0xc6: {  	s1 =	rddreg [dreg:$0x1];
	p0 =	sne.s32 s2, $0x0  }
0xc7: {  	s3 =	rddreg [dreg:$0x2];
	[bflag:$0x3] =	sbarrier.arrive $0xFFFF;
	s2 =	simm.s32 @!p0 $0x1C03  }
0xc8: {  	[timem:s3], [sflag:s2] =	dma.local @!p0 [hbm:s0], s1  }
0xc9: {  	s0 =	simm.s32 @!p0 $0x3  }
0xca: {  	_ =	swait.ge @!p0 [sflag:s0], s1  }
0xcb: {  	s1 =	ssub.s32 @!p0 $0x0, s1;
	[sflag:s0] =	ssyncset.done @!p0 $0x0  }
0xcc: {  	[sflag:s0] =	ssyncadd.s32 @!p0 s1  }
0xcd: {  	[bflag:$0x3] =	sbarrier.arrive $0xFFFF  }
0xce: {  	_ =	shalt  }

// kernel: sparse-core-data-format-call.1.cloned.1.call-start
scs
called_computation.1_lowered:
.L_overlay_start_0:
0x0: {  	s1 =	sld [smem:$0x3FD9]  }
0x1: {  	s2 =	sld [smem:$0x3FFE];
	_ =	sdelay $0x1  }
0x2: {  	s3 =	srdreg.scid  }
0x3: {  	s0 =	sand.u32 $0x1, s3  }
0x4: {  	s17 =	sshll.u32 s0, $0xA;
	s1 =	sadd.s32 s2, s1  }
0x5: {  	s1 =	sadd.s32 s1, s17  }
0x6: {  	[smem:$0x3FC6] =	sst s1  }
0x7: {  	_ = 	snop  }
0x8: {  	(tm) =	ssettm $0x1  }
0x9: {  	s18 =	sld [smem:$0x3FFB];
	_ =	sdelay $0x3  }
0xa: {  	_ =	strace s18  }
0xb: {  	s1 =	sld [smem:$0x3FFC];
	_ =	sdelay $0x3  }
0xc: {  	_ =	strace s1  }
0xd: {  	s1 =	sld [smem:$0x3FFD];
	_ =	sdelay $0x3  }
0xe: {  	_ =	strace s1  }
0xf: {  	_ =	strace $0x8FFFFFFF  }
0x10: {  	s19 =	sld [smem:$0x3FDB];
	_ =	sdelay $0x1  }
0x11: {  	s20 =	simm.s32 $_scs_section_size  }
0x12: {  	s4 =	simm.s32 $_size__tile_overlayer_lowered;
	s5 =	simm.s32 $_tile_overlayer_lowered  }
0x13: {  	s23 =	simm.s32 $0x1BFF;
	s22 =	sshll.u32 s5, $0x1;
	s1 =	sadd.s32 s20, s19  }
0x14: {  	s6 =	simm.s32 $0x0;
	s21 =	sshll.u32 s4, $0x1;
	s4 =	sadd.s32 s22, s1  }
0x15: {  	[timem:s6], [sflag:s23] =	dma.local [hbm:s4], s21  }
0x16: {  	_ =	swait.ge [sflag:s23], s21  }
0x17: {  	s2 =	ssub.s32 $0x0, s21;
	[sflag:s23] =	ssyncset.done $0x0  }
0x18: {  	[sflag:s23] =	ssyncadd.s32 s2;
	_ =	sdelay $0x1  }
0x19: {  	s24 =	simm.s32 $0x1B8B  }
0x1a: {  	_ =	swait.ge [sflag:s24], $0x1  }
0x1b: {  	[sflag:s24] =	ssyncset.done $0x0  }
0x1c: {  	s26 =	simm.s32 $0x1B8E;
	s25 =	sld [smem:$0x3FFE];
	[sflag:s24] =	ssyncadd.s32 $0xFFFFFFFF  }
0x1d: {  	s27 =	simm.s32 $execute0_lowered;
	[smem:$0x3FD2] =	sst s26  }
0x1e: {  	s4 =	sshll.u32 s27, $0x1;
	_ =	strace $0x80000049;
	[dreg:$0x1] =	wrdreg $0xFFFFFFFF  }
0x1f: {  	s28 =	simm.s32 $_size_execute0_lowered;
	s1 =	sadd.s32 s1, s4;
	[dreg:$0x0] =	wrdreg $0x0  }
0x20: {  	s4 =	sshll.u32 s28, $0x1;
	[dreg:$0x2] =	wrdreg s1  }
0x21: {  	[dreg:$0x3] =	wrdreg s4  }
0x22: {  	[dreg:$0x4] =	wrdreg $0xC0  }
0x23: {  	_ =	task [dreg:s6], $0x5FFFF  }
0x24: {  	[dreg:$0x1] =	wrdreg $0xFFFFFFFF  }
0x25: {  	[dreg:$0x0] =	wrdreg $0x60  }
0x26: {  	[dreg:$0x2] =	wrdreg s25  }
0x27: {  	[dreg:$0x3] =	wrdreg $0x9  }
0x28: {  	_ =	task.clear_ibuf [dreg:s6], $0x4FFFF;
	_ =	strace $0x90000049  }
0x29: {  	s29 =	simm.s32 $0x9;
	_ =	strace $0x8000004B  }
0x2a: {  	_ =	swait.ge [sflag:s29], $0x1  }
0x2b: {  	[sflag:s29] =	ssyncadd.s32 $0xFFFFFFFF  }
0x2c: {  	_ =	strace $0x9000004B  }
0x2d: {  	_ =	sfence  }
0x2e: {  	s30 =	sld [smem:$0x0];
	_ =	sdelay $0x2  }
0x2f: {  	s31 =	sshll.u32 s3, $0xD;
	s3 =	sshrl.u32 s3, $0x2  }
0x30: {  	s2 =	sand.u32 $0x4000, s31;
	s1 =	sadd.s32 s3, s30  }
0x31: {  	s0 =	sor.u32 s2, s0;
	s1 =	sshll.u32 s1, $0x11  }
0x32: {  	s0 =	sor.u32 s1, s0  }
0x33: {  	s0 =	sadd.s32 $0x8F2B, s0  }
0x34: {  	[sflag:s0] =	ssyncadd.remote.s32 $0x1  }
0x35: {  	_ =	sfence.sel $0xFFFF  }
0x36: {  	[dreg:$0x0] =	wrdreg $0xFFFFFFFF;
	(pc) =	sbr.abs _section_cstart, $3  }
0x37: {  	[dreg:$0x1] =	wrdreg $0xFFFFFFFF  }
0x38: {  	_ =	task.clear_ibuf [dreg:s6], $0x2FFFF;
	_ =	strace $0x9FFFFFFF  }
0x39: {  	(tm) =	ssettm $0x7FFFFFFF  }
tec
execute0_lowered:
.L_overlay_start_1:
0x0: {  	(tag) =	ssettag $0x1  }
0x1: {  	s0 =	srdreg.scid  }
0x2: {  	s1 =	sshll.u32 s0, $0x4  }
0x3: {  	s4 =	rddreg [dreg:$0x0];
	s0 =	stileid.u32;
	s1 =	sand.u32 $0x10, s1  }
0x4: {  	s7 =	simm.s32 $0x1;
	s8 =	simm.s32 $0x2;
	s1 =	sor.u32 s0, s1  }
0x5: {  	s11 =	simm.s32 $0x0;
	s10 =	simm.s32 $0x0;
	s2 =	sshll.u32 s1, $0x7  }
0x6: {  	s3 =	sadd.s32 $0x2400, s4;
	s4 =	sadd.s32 $0x7D2400, s4;
	s6 =	ssub.s32 $0x7D000, s2  }
.Ltmp0:
0x7: {  	s1 =	rddreg [dreg:$0x1];
	s5 =	sand.u32 $0xF80, s6;
	(pc) =	sbr.rel .LBB1_1-.Ltmp0, $4  }
0x8: {  	_ =	strace $0x8000004A;
	s9 =	smov.u32 s2;
	p0 =	sne.s32 s5, $0x0  }
0x9: {  	s6 =	sshrl.u32 s6, $0xC;
	s5 =	simm.s32 $0x1;
	s7 =	simm.s32 @!p0 $0x0  }
0xa: {  	[sflag:s5] =	ssyncpa.u1 $0x0;
	p0 =	por $0x0, $0x0;
	s6 =	sadd.s32 s7, s6  }
0xb: {  	[sflag:s8] =	ssyncpa.u1 $0x0;
	s8 =	simm.s32 $0x3E8000;
	s7 =	sadd.s32 $0x1, s6  }
.LBB1_4:
0xc: {  	s14 =	sshll.u32 s11, $0x3  }
0xd: {  	s30 =	sand.u32 $0x7F, s11;
	s15 =	sand.u32 $0xFFFFFC00, s14  }
0xe: {  	s11 =	sor.u32 s30, s15  }
0xf: {  	s15 =	smulhi.u32 $0x10624DD3, s11  }
0x10: {  	s14 =	smulhi.u32 $0x10624DD3, s14  }
0x11: {  	s15 =	sshrl.u32 s15, $0xF  }
0x12: {  	s14 =	sshrl.u32 s14, $0xF;
	s15 =	smul.u32 $0x7D000, s15  }
0x13: {  	s14 =	sand.u32 $0x1F, s14  }
0x14: {  	s14 =	smul.u32 $0xFA00, s14;
	s11 =	ssub.s32 s11, s15  }
0x15: {  	s15 =	sand.u32 $0x7, s11  }
0x16: {  	s14 =	sadd.s32 s4, s14;
	s11 =	sshrl.u32 s11, $0x3;
	s15 =	sshll.u32 s15, $0x12  }
0x17: {  	[tilespmem:s13+$0x0 ss:$0x81] =	vst.msk $0xffff, v0;
	s11 =	sadd.s32 s11, s14;
	s31 =	sor.u32 $0x400, s15  }
0x18: {  	[hbm4b:s11+s31] =	stream.strided.scatter [tilespmem:s12], [sflag:$0x2], $0x1000, s8, s31, $0x20;
	[tilespmem:$0x4040] =	vst v63  }
.LBB1_5:
0x19: {  	s13 =	sadd.s32 $0x1000, s9  }
0x1a: {  	p2 =	sgt.s32 s13, $0x7CFFF  }
0x1b: {  	s13 =	smov.u32 @p2 s2;
	p2 =	sne.s32 s10, s7  }
.Ltmp1:
0x1c: {  	p1 =	slt.u32 s10, $0x2;
	(pc) =	sbr.rel @!p2 .LBB1_6-.Ltmp1, $4  }
0x1d: {  	s12 =	simm.s32 @!p1 $0x2  }
0x1e: {  	s14 =	sadd.s32 $0x1, s10;
	_ =	swait.ge @!p1 [sflag:s12], $0x1000  }
0x1f: {  	s11 =	smov.u32 s9;
	p0 =	por !p0, !p0;
	[sflag:s12] =	ssyncset.done @!p1 $0x0  }
0x20: {  	s10 =	smov.u32 s14;
	s9 =	smov.u32 s13;
	[sflag:s12] =	ssyncadd.s32 @!p1 $0xFFFFF000  }
.LBB1_1:
0x21: {  	p1 =	sge.u32 s10, s6  }
0x22: {  	s12 =	sand.u32 @!p1 $0x1FFFFFF, s9  }
0x23: {  	s13 =	smulhi.u32 @!p1 $0x20C49BB, s12;
	_ =	sdelay $0x1  }
0x24: {  	s13 =	sshrl.u32 @!p1 s13, $0xC  }
0x25: {  	s13 =	smul.u32 @!p1 $0x7D000, s13;
	_ =	sdelay $0x1  }
0x26: {  	s31 =	sadd.s32 $0xFFFFFFFF, s10;
	s14 =	sxor.u32 @!p1 $0xFFFFFFFF, s10;
	s12 =	ssub.s32 @!p1 s12, s13  }
0x27: {  	s15 =	simm.s32 @!p1 $0x80;
	s14 =	sshll.u32 @!p1 s14, $0xC;
	s12 =	sshll.u32 @!p1 s12, $0x4  }
0x28: {  	s13 =	sand.u32 @!p1 $0x1000, s14;
	s14 =	simm.s32 @!p1 $0x20;
	s12 =	sadd.s32 @!p1 s3, s12  }
0x29: {  	[tilespmem:s13], [sflag:$0x1] =	stream.strided.gather @!p1 [hbm4b:s12+s14], $0x1000, s15, s14, $0x38;
	[tilespmem:$0x4040] =	vst v63  }
0x2a: {  	p1 =	sge.u32 s31, s6  }
.Ltmp2:
0x2b: {  	_ = 	snop;
	(pc) =	sbr.rel @p1 .LBB1_5-.Ltmp2, $1  }
0x2c: {  	_ =	sdelay $0x3  }
0x2d: {  	s12 =	simm.s32 $0x1  }
0x2e: {  	_ =	swait.ge [sflag:s5], $0x1000;
	s12 =	simm.s32 @!p0 $0x0  }
0x2f: {  	[sflag:s5] =	ssyncset.done $0x0;
	s13 =	sshll.u32 s12, $0xC  }
0x30: {  	[sflag:s5] =	ssyncadd.s32 $0xFFFFF000;
	s16 =	sor.u32 $0x10, s13  }
0x31: {  	s12 =	smul.u32 $0x4080, s12;
	v1 =	vld [tilespmem:s16+$0x0]  }
0x32: {  	s30 =	sand.u32 $0x1, s10;
	v0 =	vld [tilespmem:s16+$0xFFFFFFF0]  }
0x33: {  	s13 =	smul.u32 $0x4080, s30;
	s12 =	sshrl.u32 s12, $0x2  }
0x34: {  	s14 =	sor.u32 $0x2000, s12  }
0x35: {  	s31 =	sshrl.u32 s13, $0x2;
	s13 =	sadd.s32 $0x0, s14  }
0x36: {  	s15 =	simm.s32 $0x4;
	s16 =	sadd.s32 $0x20, s16;
	s12 =	sor.u32 $0x2000, s31;
	[tilespmem:s13+$0x810 ss:$0x81] =	vst.msk $0xffff, v1  }
.LBB1_3:
0x37: {  	v1 =	vld [tilespmem:s16+$0x0];
	p1 =	sne.s32 s15, $0x1FC;
	[tilespmem:s13+$0x0 ss:$0x81] =	vst.msk $0xffff, v0;
	s13 =	smov.u32 s15;
	s15 =	sadd.s32 $0x4, s15  }
.Ltmp3:
0x38: {  	v0 =	vld [tilespmem:s16+$0xFFFFFFF0];
	(pc) =	sbr.rel @p1 .LBB1_3-.Ltmp3, $4  }
0x39: {  	_ = 	snop  }
0x3a: {  	s13 =	sshra.s32 s13, $0x2  }
0x3b: {  	s13 =	sadd.s32 s13, s14  }
0x3c: {  	s16 =	sadd.s32 $0x20, s16;
	[tilespmem:s13+$0x810 ss:$0x81] =	vst.msk $0xffff, v1  }
.Ltmp4:
0x3d: {  	_ = 	snop;
	(pc) =	sbr.rel .LBB1_4-.Ltmp4, $1  }
0x3e: {  	_ =	sdelay $0x3  }
.LBB1_6:
0x3f: {  	_ =	sfence.sel $0x180000  }
0x40: {  	s2 =	simm.s32 $0x1;
	[bflag:$0x0] =	sbarrier.arrive $0xFFFF  }
0x41: {  	s31 =	simm.s32 $0x2;
	[sflag:s2] =	ssyncpa.u1 $0x1  }
0x42: {  	[sflag:s31] =	ssyncpa.u1 $0x1  }
0x43: {  	p0 =	sne.s32 s0, $0x0;
	_ =	strace $0x9000004A  }
0x44: {  	s0 =	sadd.s32 @!p0 $0x100000, s1;
	[bflag:$0x2] =	sbarrier.arrive $0xFFFF  }
0x45: {  	[sflag:s0] =	ssyncadd.tile.s32 @!p0 $0x1;
	_ =	shalt  }
.Lfunc_end1:
_tile_overlayer_lowered:
.L_overlay_start_2:
0x46: {  	(tag) =	ssettag $0x2  }
0x47: {  	s0 =	rddreg [dreg:$0x0];
	s2 =	stileid.u32  }
0x48: {  	s1 =	rddreg [dreg:$0x1];
	p0 =	sne.s32 s2, $0x0  }
0x49: {  	s3 =	rddreg [dreg:$0x2];
	[bflag:$0x3] =	sbarrier.arrive $0xFFFF;
	s2 =	simm.s32 @!p0 $0x1C01  }
0x4a: {  	[timem:s3], [sflag:s2] =	dma.local @!p0 [hbm:s0], s1  }
0x4b: {  	s0 =	simm.s32 @!p0 $0x1  }
0x4c: {  	_ =	swait.ge @!p0 [sflag:s0], s1  }
0x4d: {  	s1 =	ssub.s32 @!p0 $0x0, s1;
	[sflag:s0] =	ssyncset.done @!p0 $0x0  }
0x4e: {  	[sflag:s0] =	ssyncadd.s32 @!p0 s1  }
0x4f: {  	[bflag:$0x3] =	sbarrier.arrive $0xFFFF  }
0x50: {  	_ =	shalt  }

// kernel: sparse-core-data-format-call.cloned.1.call-start
scs
called_computation_lowered:
.L_overlay_start_0:
0x0: {  	s2 =	sld [smem:$0x3FD9]  }
0x1: {  	s3 =	sld [smem:$0x3FFE];
	_ =	sdelay $0x1  }
0x2: {  	s1 =	srdreg.scid  }
0x3: {  	s0 =	sand.u32 $0x1, s1  }
0x4: {  	s18 =	sshll.u32 s0, $0xA;
	s2 =	sadd.s32 s3, s2  }
0x5: {  	s2 =	sadd.s32 s2, s18  }
0x6: {  	[smem:$0x3FC6] =	sst s2  }
0x7: {  	_ = 	snop  }
0x8: {  	s2 =	sld [smem:$0x3FD0];
	(tm) =	ssettm $0x1  }
0x9: {  	s19 =	sld [smem:$0x3FFB];
	_ =	sdelay $0x3  }
0xa: {  	_ =	strace s19  }
0xb: {  	s3 =	sld [smem:$0x3FFC];
	_ =	sdelay $0x3  }
0xc: {  	_ =	strace s3  }
0xd: {  	s3 =	sld [smem:$0x3FFD];
	_ =	sdelay $0x3  }
0xe: {  	_ =	strace s3  }
0xf: {  	_ =	strace $0x8FFFFFFF  }
0x10: {  	s20 =	sld [smem:$0x3FDB];
	_ =	sdelay $0x1  }
0x11: {  	s4 =	simm.s32 $_scs_section_size  }
0x12: {  	s5 =	simm.s32 $_size__tile_overlayer_lowered;
	s6 =	simm.s32 $_tile_overlayer_lowered  }
0x13: {  	s23 =	simm.s32 $0x1BFF;
	s22 =	sshll.u32 s6, $0x1;
	s3 =	sadd.s32 s4, s20  }
0x14: {  	s7 =	simm.s32 $0x0;
	s21 =	sshll.u32 s5, $0x1;
	s5 =	sadd.s32 s22, s3  }
0x15: {  	[timem:s7], [sflag:s23] =	dma.local [hbm:s5], s21  }
0x16: {  	_ =	swait.ge [sflag:s23], s21  }
0x17: {  	s4 =	ssub.s32 $0x0, s21;
	[sflag:s23] =	ssyncset.done $0x0  }
0x18: {  	[sflag:s23] =	ssyncadd.s32 s4;
	_ =	sdelay $0x1  }
0x19: {  	s24 =	simm.s32 $0x1B8B  }
0x1a: {  	_ =	swait.ge [sflag:s24], $0x1  }
0x1b: {  	[sflag:s24] =	ssyncset.done $0x0  }
0x1c: {  	s26 =	simm.s32 $0x1B8E;
	s25 =	sld [smem:$0x3FFE];
	[sflag:s24] =	ssyncadd.s32 $0xFFFFFFFF  }
0x1d: {  	s27 =	simm.s32 $execute0_lowered;
	[smem:$0x3FD2] =	sst s26  }
0x1e: {  	s5 =	sshll.u32 s27, $0x1;
	_ =	strace $0x8000004C;
	[dreg:$0x1] =	wrdreg $0xFFFFFFFF  }
0x1f: {  	s28 =	simm.s32 $_size_execute0_lowered;
	s3 =	sadd.s32 s3, s5;
	[dreg:$0x0] =	wrdreg $0x0  }
0x20: {  	s5 =	sshll.u32 s28, $0x1;
	[dreg:$0x2] =	wrdreg s3  }
0x21: {  	[dreg:$0x3] =	wrdreg s5  }
0x22: {  	[dreg:$0x4] =	wrdreg $0xC0  }
0x23: {  	_ =	task [dreg:s7], $0x5FFFF  }
0x24: {  	[dreg:$0x1] =	wrdreg $0xFFFFFFFF  }
0x25: {  	[dreg:$0x0] =	wrdreg $0x60  }
0x26: {  	[dreg:$0x2] =	wrdreg s25  }
0x27: {  	[dreg:$0x3] =	wrdreg s2  }
0x28: {  	[dreg:$0x4] =	wrdreg $0x9  }
0x29: {  	_ =	task.clear_ibuf [dreg:s7], $0x5FFFF;
	_ =	strace $0x9000004C  }
0x2a: {  	s29 =	simm.s32 $0x9;
	_ =	strace $0x8000004E  }
0x2b: {  	_ =	swait.ge [sflag:s29], $0x1  }
0x2c: {  	[sflag:s29] =	ssyncadd.s32 $0xFFFFFFFF  }
0x2d: {  	_ =	strace $0x9000004E  }
0x2e: {  	_ =	sfence  }
0x2f: {  	s30 =	sld [smem:$0x0];
	_ =	sdelay $0x2  }
0x30: {  	s31 =	sshll.u32 s1, $0xD;
	s1 =	sshrl.u32 s1, $0x2  }
0x31: {  	s3 =	sand.u32 $0x4000, s31;
	s1 =	sadd.s32 s1, s30  }
0x32: {  	s0 =	sor.u32 s3, s0;
	s1 =	sshll.u32 s1, $0x11  }
0x33: {  	s0 =	sor.u32 s1, s0  }
0x34: {  	s0 =	sadd.s32 $0x8F2B, s0  }
0x35: {  	[sflag:s0] =	ssyncadd.remote.s32 $0x1  }
0x36: {  	_ =	sfence.sel $0xFFFF  }
0x37: {  	[dreg:$0x0] =	wrdreg $0xFFFFFFFF;
	(pc) =	sbr.abs _section_cstart, $3  }
0x38: {  	[dreg:$0x1] =	wrdreg $0xFFFFFFFF  }
0x39: {  	_ =	task.clear_ibuf [dreg:s7], $0x2FFFF;
	_ =	strace $0x9FFFFFFF  }
0x3a: {  	(tm) =	ssettm $0x7FFFFFFF  }
0x3b: {  	_ =	shalt  }
tec
execute0_lowered:
.L_overlay_start_1:
0x0: {  	(tag) =	ssettag $0x1  }
0x1: {  	s1 =	rddreg [dreg:$0x0]  }
0x2: {  	s2 =	rddreg [dreg:$0x1]  }
0x3: {  	s0 =	rddreg [dreg:$0x2]  }
0x4: {  	s4 =	srdreg.scid;
	_ =	strace $0x8000004D;
	s6 =	simm.s32 $0x2  }
0x5: {  	s15 =	simm.s32 $0x0;
	p0 =	por $0x0, $0x0;
	s14 =	simm.s32 $0x0  }
0x6: {  	s16 =	simm.s32 $0x0;
	s7 =	simm.s32 $0x0;
	s9 =	simm.s32 $0x0  }
.Ltmp0:
0x7: {  	s10 =	simm.s32 $0x0;
	s11 =	simm.s32 $0x0;
	(pc) =	sbr.rel .LBB1_1-.Ltmp0, $4  }
0x8: {  	s12 =	simm.s32 $0x0;
	s3 =	sadd.s32 $0x1400, s1;
	s4 =	sshll.u32 s4, $0x4  }
0x9: {  	s1 =	stileid.u32;
	s5 =	sand.u32 $0x10, s4;
	s4 =	simm.s32 $0x1  }
0xa: {  	s8 =	simm.s32 $0x0;
	s5 =	sor.u32 s1, s5;
	[sflag:s4] =	ssyncpa.u1 $0x0  }
0xb: {  	[sflag:s6] =	ssyncpa.u1 $0x0;
	s6 =	simm.s32 $0x20000;
	s13 =	smov.u32 s5  }
.LBB1_5:
0xc: {  	p1 =	slt.u32 s8, $0x2;
	s18 =	smov.u32 s16  }
0xd: {  	p2 =	sgt.s32 @!p1 s15, $0x48;
	s17 =	sshra.s32 @!p1 s15, $0x1F;
	p3 =	sgt.s32 @!p1 s16, $0x1F  }
0xe: {  	s19 =	sshra.s32 @!p1 s16, $0x1F;
	p2 =	por !p2, p1;
	s17 =	sand.u32 @!p1 s17, s15  }
0xf: {  	p3 =	por !p3, p1;
	s16 =	sand.u32 @!p1 s19, s16;
	s19 =	sshra.s32 @!p1 s14, $0x1F  }
0x10: {  	s18 =	simm.s32 @p3 $0x1F;
	p3 =	sgt.s32 @!p1 s14, $0xF80;
	s15 =	simm.s32 @p2 $0x48  }
0x11: {  	s16 =	ssub.s32 @!p1 s18, s16;
	p3 =	por !p3, p1;
	s18 =	smov.u32 s14  }
0x12: {  	s14 =	sand.u32 @!p1 s19, s14;
	s15 =	ssub.s32 @!p1 s15, s17;
	s18 =	simm.s32 @p3 $0xF80  }
0x13: {  	s17 =	sadd.s32 @!p1 $0xFFFFFFE1, s16;
	s16 =	ssub.s32 @!p1 $0x20, s16;
	s14 =	ssub.s32 @!p1 s18, s14  }
0x14: {  	s18 =	sadd.s32 @!p1 $0xFFFFFFB8, s15;
	p2 =	sgt.s32 @!p1 s17, $0x0;
	s17 =	sadd.s32 @!p1 $0xFFFFF080, s14  }
0x15: {  	s15 =	ssub.s32 @!p1 $0xC8, s15;
	p2 =	por !p2, p1;
	p3 =	sgt.s32 @!p1 s17, $0x7F  }
0x16: {  	s14 =	ssub.s32 @!p1 $0x1000, s14;
	s16 =	simm.s32 @!p2 $0x0;
	p2 =	por !p3, p1  }
0x17: {  	s17 =	sadd.s32 $0x80, s11;
	p3 =	sgt.s32 @!p1 s18, $0x7F;
	s14 =	simm.s32 @!p2 $0x0  }
0x18: {  	s18 =	smov.u32 s12;
	p2 =	por !p3, p1;
	s14 =	smul.u32 @!p1 s16, s14  }
0x19: {  	s15 =	simm.s32 @!p2 $0x0;
	p2 =	sgt.s32 s17, $0xC7;
	s16 =	sadd.s32 $0x80, s12  }
0x1a: {  	s19 =	smov.u32 s13;
	s18 =	smov.u32 @p2 s16  }
0x1b: {  	s14 =	smul.u32 @!p1 s15, s14;
	p3 =	sgt.s32 s18, $0xFFF;
	s15 =	sadd.s32 $0x20, s13  }
0x1c: {  	s8 =	sadd.s32 $0x1, s8;
	p0 =	por !p0, !p0;
	s19 =	smov.u32 @p3 s15  }
0x1d: {  	s20 =	simm.s32 @!p1 $0x2;
	s17 =	simm.s32 @p2 $0x0;
	p2 =	sgt.s32 s19, $0x1F  }
0x1e: {  	s16 =	smov.u32 s10;
	s19 =	smov.u32 @p2 s5;
	p2 =	sne.s32 s8, $0x42  }
.Ltmp1:
0x1f: {  	s10 =	smov.u32 s13;
	s18 =	simm.s32 @p3 $0x0;
	(pc) =	sbr.rel @!p2 .LBB1_6-.Ltmp1, $4  }
0x20: {  	s15 =	smov.u32 s7;
	s7 =	smov.u32 s11;
	s14 =	sand.u32 @!p1 $0x3FFFFFFF, s14  }
0x21: {  	s11 =	smov.u32 s17;
	_ =	swait.ge @!p1 [sflag:s20], s14;
	s21 =	ssub.s32 @!p1 $0x0, s14  }
0x22: {  	s14 =	smov.u32 s9;
	s9 =	smov.u32 s12;
	[sflag:s20] =	ssyncset.done @!p1 $0x0  }
0x23: {  	s12 =	smov.u32 s18;
	s13 =	smov.u32 s19;
	[sflag:s20] =	ssyncadd.s32 @!p1 s21  }
.LBB1_1:
0x24: {  	p1 =	sgt.u32 s8, $0x3F  }
0x25: {  	s17 =	sxor.u32 @!p1 $0xFFFFFFFF, s8  }
0x26: {  	s18 =	sshll.u32 @!p1 s12, $0x8;
	s19 =	sshll.u32 @!p1 s11, $0x3;
	s20 =	sshll.u32 @!p1 s12, $0x7  }
0x27: {  	s21 =	sand.u32 @!p1 $0x78, s11;
	s18 =	sand.u32 @!p1 $0xFF800, s18;
	s19 =	sand.u32 @!p1 $0xFFC00, s19  }
0x28: {  	s17 =	sshll.u32 @!p1 s17, $0xE;
	s18 =	sadd.s32 @!p1 s18, s19;
	s19 =	sand.u32 @!p1 $0x300, s20  }
0x29: {  	s17 =	sand.u32 @!p1 $0x4000, s17;
	s18 =	sor.u32 @!p1 s19, s18;
	s19 =	sand.u32 @!p1 $0x80, s20  }
0x2a: {  	s20 =	sshll.u32 @!p1 s13, $0x11;
	s19 =	sor.u32 @!p1 s21, s19;
	s18 =	sshrl.u32 @!p1 s18, $0x3  }
0x2b: {  	s20 =	sadd.s32 @!p1 s3, s20;
	s21 =	sand.u32 @!p1 $0x7, s11;
	s19 =	sshrl.u32 @!p1 s19, $0x3  }
0x2c: {  	s18 =	sand.u32 @!p1 $0x1FFE0, s18;
	s19 =	sadd.s32 @!p1 s19, s20;
	s20 =	sshll.u32 @!p1 s21, $0x12  }
0x2d: {  	s18 =	sadd.s32 @!p1 s18, s19;
	s19 =	sor.u32 @!p1 $0x400, s20;
	s20 =	simm.s32 @!p1 $0x800  }
0x2e: {  	[tilespmem:s17], [sflag:$0x1] =	stream.strided.gather @!p1 [hbm4b:s18+s19], $0x4000, s20, s19, $0x38;
	[tilespmem:$0x10100] =	vst v63  }
0x2f: {  	p1 =	seq.s32 s8, $0x0  }
0x30: {  	p2 =	seq.s32 @!p1 s8, $0x41  }
0x31: {  	p1 =	por p1, p2  }
.Ltmp2:
0x32: {  	_ = 	snop;
	(pc) =	sbr.rel @p1 .LBB1_5-.Ltmp2, $1  }
0x33: {  	_ =	sdelay $0x3  }
0x34: {  	s17 =	simm.s32 $0x1  }
0x35: {  	_ =	swait.ge [sflag:s4], $0x4000;
	s17 =	simm.s32 @!p0 $0x0  }
0x36: {  	[sflag:s4] =	ssyncset.done $0x0;
	s18 =	sshll.u32 s17, $0xE  }
0x37: {  	[sflag:s4] =	ssyncadd.s32 $0xFFFFC000;
	s18 =	sor.u32 $0x40, s18  }
0x38: {  	s17 =	smul.u32 $0x10200, s17;
	v0 =	vld [tilespmem:s18+$0x30]  }
0x39: {  	v1 =	vld [tilespmem:s18+$0xFFFFFFD0]  }
0x3a: {  	s17 =	sshrl.u32 s17, $0x2;
	v5 =	vld [tilespmem:s18+$0xFFFFFFE0]  }
0x3b: {  	v6 =	vld [tilespmem:s18+$0xFFFFFFF0];
	s20 =	sor.u32 $0x8000, s17  }
0x3c: {  	s31 =	sand.u32 $0x1, s8;
	v4 =	vld [tilespmem:s18+$0x0];
	s19 =	sadd.s32 $0x0, s20  }
0x3d: {  	v3 =	vld [tilespmem:s18+$0x10];
	s17 =	smul.u32 $0x10200, s31;
	[tilespmem:s19+$0x3870 ss:$0x81] =	vst.msk $0xffff, v0  }
0x3e: {  	v2 =	vld [tilespmem:s18+$0x20];
	[tilespmem:s19+$0x810 ss:$0x81] =	vst.msk $0xffff, v1  }
0x3f: {  	s17 =	sshrl.u32 s17, $0x2;
	v1 =	vld [tilespmem:s18+$0xFFFFFFC0];
	[tilespmem:s19+$0x1020 ss:$0x81] =	vst.msk $0xffff, v5;
	s18 =	sadd.s32 $0x80, s18  }
0x40: {  	s21 =	simm.s32 $0x4;
	s22 =	simm.s32 $0x8;
	s17 =	sor.u32 $0x8000, s17;
	[tilespmem:s19+$0x1830 ss:$0x81] =	vst.msk $0xffff, v6;
	v0 =	vld [tilespmem:s18+$0x30]  }
.LBB1_3:
0x41: {  	p1 =	sne.s32 s22, $0x1FC;
	v5 =	vld [tilespmem:s18+$0xFFFFFFD0];
	[tilespmem:s19+$0x2040 ss:$0x81] =	vst.msk $0xffff, v4  }
0x42: {  	v6 =	vld [tilespmem:s18+$0xFFFFFFE0];
	[tilespmem:s19+$0x2850 ss:$0x81] =	vst.msk $0xffff, v3  }
0x43: {  	s23 =	sshra.s32 s21, $0x2;
	s21 =	smov.u32 s22;
	v7 =	vld [tilespmem:s18+$0xFFFFFFF0];
	[tilespmem:s19+$0x3060 ss:$0x81] =	vst.msk $0xffff, v2  }
.Ltmp3:
0x44: {  	v4 =	vld [tilespmem:s18+$0x0];
	[tilespmem:s19+$0x0 ss:$0x81] =	vst.msk $0xffff, v1;
	s19 =	sadd.s32 s23, s20;
	(pc) =	sbr.rel @p1 .LBB1_3-.Ltmp3, $4  }
0x45: {  	v3 =	vld [tilespmem:s18+$0x10];
	[tilespmem:s19+$0x3870 ss:$0x81] =	vst.msk $0xffff, v0  }
0x46: {  	[tilespmem:s19+$0x810 ss:$0x81] =	vst.msk $0xffff, v5;
	v2 =	vld [tilespmem:s18+$0x20]  }
0x47: {  	v1 =	vld [tilespmem:s18+$0xFFFFFFC0];
	[tilespmem:s19+$0x1020 ss:$0x81] =	vst.msk $0xffff, v6;
	s18 =	sadd.s32 $0x80, s18  }
0x48: {  	s22 =	sadd.s32 $0x4, s22;
	v0 =	vld [tilespmem:s18+$0x30];
	[tilespmem:s19+$0x1830 ss:$0x81] =	vst.msk $0xffff, v7  }
0x49: {  	s21 =	sshra.s32 s21, $0x2;
	s28 =	sand.u32 $0x78, s9  }
0x4a: {  	s22 =	sshll.u32 s10, $0x7;
	p1 =	sgt.s32 s10, $0x1F;
	s23 =	smov.u32 s10  }
0x4b: {  	s24 =	sshra.s32 s10, $0x1F;
	s25 =	smov.u32 s7;
	s26 =	sshra.s32 s9, $0x1F  }
0x4c: {  	s31 =	sshll.u32 s10, $0xC;
	s27 =	sshra.s32 s7, $0x1F;
	s20 =	sadd.s32 s21, s20  }
0x4d: {  	s22 =	sand.u32 $0x380, s22;
	s23 =	simm.s32 @!p1 $0x1F;
	p1 =	sgt.s32 s7, $0x48  }
0x4e: {  	s24 =	sand.u32 s24, s10;
	s30 =	sand.u32 s26, s9;
	s26 =	sand.u32 $0x18000, s31  }
0x4f: {  	s31 =	sshll.u32 s9, $0x3;
	s21 =	sor.u32 s22, s28;
	s25 =	simm.s32 @!p1 $0x48  }
0x50: {  	v5 =	vld [tilespmem:s18+$0xFFFFFFD0];
	[tilespmem:s19+$0x2040 ss:$0x81] =	vst.msk $0xffff, v4;
	s29 =	ssub.s32 s23, s24;
	p1 =	sgt.s32 s9, $0xF80;
	s24 =	smov.u32 s9  }
0x51: {  	v58 =	vld [tilespmem:s18+$0xFFFFFFE0];
	[tilespmem:s19+$0x2850 ss:$0x81] =	vst.msk $0xffff, v3;
	s26 =	sadd.s32 s26, s31;
	s23 =	sadd.s32 $0xFFFFFFE1, s29;
	s24 =	simm.s32 @!p1 $0xF80  }
0x52: {  	v59 =	vld [tilespmem:s18+$0xFFFFFFF0];
	[tilespmem:s19+$0x3060 ss:$0x81] =	vst.msk $0xffff, v2;
	p1 =	sgt.s32 s23, $0x0;
	s23 =	ssub.s32 s24, s30;
	s24 =	sand.u32 s27, s7  }
0x53: {  	v60 =	vld [tilespmem:s18+$0x0];
	s22 =	ssub.s32 $0x20, s29;
	[tilespmem:s19+$0x0 ss:$0x81] =	vst.msk $0xffff, v1;
	s27 =	sshll.u32 s7, $0xE;
	s28 =	ssub.s32 s25, s24  }
0x54: {  	v61 =	vld [tilespmem:s18+$0x10];
	[tilespmem:s20+$0x3870 ss:$0x81] =	vst.msk $0xffff, v0;
	s22 =	simm.s32 @p1 $0x0;
	s29 =	sadd.s32 $0xFFFFF080, s23;
	s23 =	ssub.s32 $0x1000, s23  }
0x55: {  	v62 =	vld [tilespmem:s18+$0x20];
	[tilespmem:s20+$0x810 ss:$0x81] =	vst.msk $0xffff, v5;
	s25 =	sand.u32 $0xC00, s31;
	p1 =	sgt.s32 s29, $0x7F;
	s30 =	sadd.s32 $0xFFFFFFB8, s28  }
0x56: {  	v63 =	vld [tilespmem:s18+$0xFFFFFFC0];
	[tilespmem:s20+$0x1020 ss:$0x81] =	vst.msk $0xffff, v58;
	s19 =	ssub.s32 $0xC8, s28;
	s21 =	sor.u32 s25, s21;
	s23 =	simm.s32 @p1 $0x0  }
0x57: {  	[tilespmem:s20+$0x1830 ss:$0x81] =	vst.msk $0xffff, v59;
	s28 =	sshrl.u32 s26, $0x3;
	p1 =	sgt.s32 s30, $0x7F;
	s23 =	smul.u32 s22, s23  }
.Ltmp4:
0x58: {  	[tilespmem:s20+$0x2040 ss:$0x81] =	vst.msk $0xffff, v60;
	s29 =	sand.u32 $0x7, s9;
	s19 =	simm.s32 @p1 $0x0;
	(pc) =	sbr.rel .LBB1_5-.Ltmp4, $4  }
0x59: {  	[tilespmem:s20+$0x2850 ss:$0x81] =	vst.msk $0xffff, v61;
	s22 =	sand.u32 $0x3E00, s28;
	s18 =	smul.u32 s19, s23;
	s19 =	sadd.s32 s2, s27  }
0x5a: {  	[tilespmem:s20+$0x3060 ss:$0x81] =	vst.msk $0xffff, v62;
	s21 =	sshrl.u32 s21, $0x3;
	s30 =	sshll.u32 s29, $0x12;
	s19 =	sadd.s32 s22, s19  }
0x5b: {  	[tilespmem:s20+$0x0 ss:$0x81] =	vst.msk $0xffff, v63;
	s31 =	sor.u32 $0x80, s30;
	s18 =	sand.u32 $0x3FFFFFFF, s18;
	s19 =	sadd.s32 s21, s19  }
0x5c: {  	[hbm4b:s19+s31] =	stream.strided.scatter [tilespmem:s17], [sflag:$0x2], s18, s6, s31, $0x20;
	[tilespmem:$0x10100] =	vst v63  }
.LBB1_6:
0x5d: {  	_ =	sfence.sel $0x180000  }
0x5e: {  	s2 =	simm.s32 $0x1;
	[bflag:$0x0] =	sbarrier.arrive $0xFFFF  }
0x5f: {  	s31 =	simm.s32 $0x2;
	[sflag:s2] =	ssyncpa.u1 $0x1  }
0x60: {  	[sflag:s31] =	ssyncpa.u1 $0x1  }
0x61: {  	p0 =	sne.s32 s1, $0x0;
	_ =	strace $0x9000004D  }
0x62: {  	s0 =	sadd.s32 @!p0 $0x100000, s0;
	[bflag:$0x2] =	sbarrier.arrive $0xFFFF  }
0x63: {  	[sflag:s0] =	ssyncadd.tile.s32 @!p0 $0x1;
	_ =	shalt  }
.Lfunc_end1:
_tile_overlayer_lowered:
.L_overlay_start_2:
0x64: {  	(tag) =	ssettag $0x2  }
0x65: {  	s0 =	rddreg [dreg:$0x0];
	s2 =	stileid.u32  }
0x66: {  	s1 =	rddreg [dreg:$0x1];
	p0 =	sne.s32 s2, $0x0  }
0x67: {  	s3 =	rddreg [dreg:$0x2];
	[bflag:$0x3] =	sbarrier.arrive $0xFFFF;
	s2 =	simm.s32 @!p0 $0x1C01  }
0x68: {  	[timem:s3], [sflag:s2] =	dma.local @!p0 [hbm:s0], s1  }
0x69: {  	s0 =	simm.s32 @!p0 $0x1  }
0x6a: {  	_ =	swait.ge @!p0 [sflag:s0], s1  }
0x6b: {  	s1 =	ssub.s32 @!p0 $0x0, s1;
	[sflag:s0] =	ssyncset.done @!p0 $0x0  }
0x6c: {  	[sflag:s0] =	ssyncadd.s32 @!p0 s1  }
0x6d: {  	[bflag:$0x3] =	sbarrier.arrive $0xFFFF  }
0x6e: {  	_ =	shalt  }

</sc_bundles>
